<compile_context>
chip_gen: v7x
topology: tpu7x:2x2x1
jax: 0.10.2.dev20260603
libtpu: 0.0.44.dev20260713+nightly
codegen_flags: <defaults>
</compile_context>

<pallas_src>
import jax
import jax.numpy as jnp
from jax import lax
from jax.experimental import pallas as pl
from jax.experimental.pallas import tpu as pltpu
from jax.experimental.pallas import tpu_sc as plsc

B, T, V, D, H, F = 1024, 50, 1000, 512, 512, 2048
G = 4 * H
GP = G // 2
OUT_PAD = 128

CH_SIZES = (10, 10, 10, 10, 10)

_NC, _NS = 2, 16
_NW = _NC * _NS
_CHUNK = 80


def _proj_body(emb_ref, w_ref, b_ref, out_ref):
    p = (
        jnp.dot(emb_ref[...], w_ref[...], preferred_element_type=jnp.float32)
        + b_ref[...]
    )
    lo_bits = lax.bitcast_convert_type(p[:, :GP], jnp.int32) + 0x8000
    hi_bits = lax.bitcast_convert_type(p[:, GP:], jnp.int32) + 0x8000
    lo16 = lax.shift_right_logical(lo_bits, 16)
    hi16 = hi_bits & jnp.int32(-65536)
    out_ref[...] = hi16 | lo16


def _make_gather_body(rows_per_w, nchunk):
    def body(table_hbm, idx_hbm, out_hbm, idx_v, rows_v, sem):
        wid = lax.axis_index("s") * _NC + lax.axis_index("c")
        base = wid * rows_per_w
        pltpu.sync_copy(idx_hbm.at[pl.ds(base, rows_per_w)], idx_v)

        def chunk(ch, carry):
            r0 = ch * _CHUNK
            pltpu.async_copy(
                table_hbm.at[idx_v.at[pl.ds(r0, _CHUNK)]], rows_v, sem
            ).wait()
            pltpu.sync_copy(rows_v, out_hbm.at[pl.ds(base + r0, _CHUNK)])
            return carry

        lax.fori_loop(0, nchunk, chunk, 0)

    return body


def _lstm_body(x_ref, whh_ref, h_in_ref, c_in_ref, h_ref, c_ref):
    t = pl.program_id(0)

    @pl.when(t == 0)
    def _():
        h_ref[...] = h_in_ref[...]
        c_ref[...] = c_in_ref[...]

    w = x_ref[0]
    x_lo = lax.bitcast_convert_type(lax.shift_left(w, 16), jnp.float32)
    x_hi = lax.bitcast_convert_type(w & jnp.int32(-65536), jnp.float32)
    hw = jnp.dot(h_ref[...], whh_ref[...], preferred_element_type=jnp.float32)
    i = jax.nn.sigmoid(x_lo[:, 0:H] + hw[:, 0:H])
    f = jax.nn.sigmoid(x_lo[:, H:2 * H] + hw[:, H:2 * H])
    g = jnp.tanh(x_hi[:, 0:H] + hw[:, 2 * H:3 * H])
    o = jax.nn.sigmoid(x_hi[:, H:2 * H] + hw[:, 3 * H:4 * H])
    c_new = f * c_ref[...] + i * g
    h_new = o * jnp.tanh(c_new)
    c_ref[...] = c_new
    h_ref[...] = h_new.astype(jnp.bfloat16)


def _mlp_body(h_ref, w1_ref, b1_ref, w2_ref, b2_ref, out_ref):
    a = jnp.maximum(
        jnp.dot(h_ref[...], w1_ref[...], preferred_element_type=jnp.float32)
        + b1_ref[...],
        0.0,
    ).astype(jnp.bfloat16)
    out_ref[...] = (
        jnp.dot(a, w2_ref[...], preferred_element_type=jnp.float32)
        + b2_ref[...]
    )


def kernel(src_seq, src_pos, emb, W_ih, W_hh, b_ih, b_hh, W1, b1, W2, b2):
    bias = (b_ih + b_hh).reshape(1, G)
    P_packed = pl.pallas_call(
        _proj_body,
        out_shape=jax.ShapeDtypeStruct((V, GP), jnp.int32),
    )(emb, W_ih.T, bias)

    seq_t = src_seq.T.astype(jnp.int32)
    whh_bf = W_hh.T.astype(jnp.bfloat16)

    def make_gather(sz):
        rows_per_w = (sz * B) // _NW
        return pl.kernel(
            _make_gather_body(rows_per_w, rows_per_w // _CHUNK),
            out_type=jax.ShapeDtypeStruct((sz * B, GP), jnp.int32),
            mesh=plsc.VectorSubcoreMesh(core_axis_name="c",
                                        subcore_axis_name="s"),
            scratch_types=[
                pltpu.VMEM((rows_per_w,), jnp.int32),
                pltpu.VMEM((_CHUNK, GP), jnp.int32),
                pltpu.SemaphoreType.DMA,
            ],
        )

    def make_lstm(sz):
        return pl.pallas_call(
            _lstm_body,
            grid=(sz,),
            in_specs=[
                pl.BlockSpec((1, B, GP), lambda t: (t, 0, 0)),
                pl.BlockSpec((H, G), lambda t: (0, 0)),
                pl.BlockSpec((B, H), lambda t: (0, 0)),
                pl.BlockSpec((B, H), lambda t: (0, 0)),
            ],
            out_specs=[
                pl.BlockSpec((B, H), lambda t: (0, 0)),
                pl.BlockSpec((B, H), lambda t: (0, 0)),
            ],
            out_shape=[
                jax.ShapeDtypeStruct((B, H), jnp.bfloat16),
                jax.ShapeDtypeStruct((B, H), jnp.float32),
            ],
        )

    calls = {sz: (make_gather(sz), make_lstm(sz)) for sz in set(CH_SIZES)}

    h = jnp.zeros((B, H), jnp.bfloat16)
    c = jnp.zeros((B, H), jnp.float32)
    t0 = 0
    for sz in CH_SIZES:
        gather, lstm_chunk = calls[sz]
        idx_k = seq_t[t0:t0 + sz].reshape(sz * B)
        X_k = gather(P_packed, idx_k).reshape(sz, B, GP)
        h, c = lstm_chunk(X_k, whh_bf, h, c)
        t0 += sz

    W2p = jnp.pad(W2.T, ((0, 0), (0, OUT_PAD - 2))).astype(jnp.bfloat16)
    b2p = jnp.pad(b2, (0, OUT_PAD - 2)).reshape(1, OUT_PAD)
    out_p = pl.pallas_call(
        _mlp_body,
        out_shape=jax.ShapeDtypeStruct((B, OUT_PAD), jnp.float32),
    )(h, W1.T.astype(jnp.bfloat16), b1.reshape(1, F), W2p, b2p)
    return out_p[:, :2]

# --- scband reference (transcript-rebuilt; emitter-appended) ---
"""Pipeline reference for scband-lstm-model-53566832116163 (READ-ONLY COPY).

The authoritative reference and input builder live on the scoring server;
editing this copy changes nothing except your own understanding.
"""

import jax, jax.numpy as jnp
import numpy as np


def setup_inputs(seed: int = 0):
    key = jax.random.key(seed)
    ks = jax.random.split(key, 12)
    B, T, V, D, H, F = 1024, 50, 1000, 512, 512, 2048
    src_seq = jax.random.randint(ks[0], (B, T), 0, 900)
    src_pos = jax.random.randint(ks[1], (B, T), 0, 50)
    emb = jax.random.normal(ks[2], (V, D), dtype=jnp.float32) * 0.02
    W_ih = jax.random.normal(ks[3], (4 * H, D), dtype=jnp.float32) * (1.0 / np.sqrt(H))
    W_hh = jax.random.normal(ks[4], (4 * H, H), dtype=jnp.float32) * (1.0 / np.sqrt(H))
    b_ih = jax.random.normal(ks[5], (4 * H,), dtype=jnp.float32) * 0.01
    b_hh = jax.random.normal(ks[6], (4 * H,), dtype=jnp.float32) * 0.01
    W1 = jax.random.normal(ks[7], (F, H), dtype=jnp.float32) * (1.0 / np.sqrt(H))
    b1 = jnp.zeros((F,), dtype=jnp.float32)
    W2 = jax.random.normal(ks[8], (2, F), dtype=jnp.float32) * (1.0 / np.sqrt(F))
    b2 = jnp.zeros((2,), dtype=jnp.float32)
    return {"src_seq": src_seq, "src_pos": src_pos, "emb": emb, "W_ih": W_ih, "W_hh": W_hh, "b_ih": b_ih, "b_hh": b_hh, "W1": W1, "b1": b1, "W2": W2, "b2": b2}


def _lstm_last(x_seq, W_ih, W_hh, b_ih, b_hh):
    B = x_seq.shape[0]
    H = W_hh.shape[1]

    def step(carry, x_t):
        h, c = carry
        gates = x_t @ W_ih.T + b_ih + h @ W_hh.T + b_hh
        i, f, g, o = jnp.split(gates, 4, axis=-1)
        i = jax.nn.sigmoid(i)
        f = jax.nn.sigmoid(f)
        g = jnp.tanh(g)
        o = jax.nn.sigmoid(o)
        c_new = f * c + i * g
        h_new = o * jnp.tanh(c_new)
        return (h_new, c_new), None

    h0 = jnp.zeros((B, H), dtype=x_seq.dtype)
    c0 = jnp.zeros((B, H), dtype=x_seq.dtype)
    (h_T, _c_T), _ = jax.lax.scan(step, (h0, c0), jnp.swapaxes(x_seq, 0, 1))
    return h_T


def reference(src_seq, src_pos, emb, W_ih, W_hh, b_ih, b_hh, W1, b1, W2, b2):
    # src_pos is accepted but unused, matching the original forward
    embedded = jnp.take(emb, src_seq, axis=0)
    h_last = _lstm_last(embedded, W_ih, W_hh, b_ih, b_hh)
    out = jax.nn.relu(h_last @ W1.T + b1)
    out = out @ W2.T + b2
    return out

if __name__ == "__main__":
    import jax
    _d = setup_inputs()
    print(jax.jit(kernel)(*tuple(_d.values())))

</pallas_src>

<mosaic_0001>
#map = affine_map<(d0, d1) -> (0, 0)>
#map1 = affine_map<(d0, d1) -> (0)>
module attributes {stable_mosaic.version = 14 : i64} {
  func.func @body(%arg0: i32, %arg1: i32, %arg2: memref<1000x1024xi32, #tpu.memory_space<hbm>>, %arg3: memref<10240xi32, #tpu.memory_space<hbm>>, %arg4: memref<10240x1024xi32, #tpu.memory_space<hbm>>, %arg5: memref<320xi32, #tpu.memory_space<vmem>>, %arg6: memref<80x1024xi32, #tpu.memory_space<vmem>>, %arg7: memref<!tpu.dma_semaphore, #tpu.memory_space<semaphore_mem>>) attributes {dimension_semantics = [#tpu.dimension_semantics<core_parallel>, #tpu.dimension_semantics<subcore_parallel>], iteration_bounds = array<i64: 2, 16>, scalar_prefetch = 0 : i64, scratch_operands = 3 : i64, tpu.core_type = #tpu.core_type<sc_vector_subcore>, window_params = [{transform_indices = #map}, {transform_indices = #map1}, {transform_indices = #map}]} {
    %mul3A = arith.constant 2 : i32
    %mul3A_0 = arith.muli %arg1, %mul3A : i32
    %add3A = arith.addi %mul3A_0, %arg0 : i32
    %mul3A_1 = arith.constant 320 : i32
    %mul3A_2 = arith.muli %add3A, %mul3A_1 : i32
    "tpu.region"() ({
      %run_scoped3A = tpu.sem_alloc : memref<!tpu.dma_semaphore, #tpu.memory_space<semaphore_mem>>
      %dma_start3A = tpu.memref_slice %arg3[%mul3A_2] : memref<10240xi32, #tpu.memory_space<hbm>> -> memref<320xi32, #tpu.memory_space<hbm>>
      %dma_start3A_8 = tpu.memref_slice %arg3[%mul3A_2] : memref<10240xi32, #tpu.memory_space<hbm>> -> memref<320xi32, #tpu.memory_space<hbm>>
      tpu.enqueue_dma source(%dma_start3A_8 : memref<320xi32, #tpu.memory_space<hbm>>) target(%arg5 : memref<320xi32, #tpu.memory_space<vmem>>) target_semaphore(%run_scoped3A : memref<!tpu.dma_semaphore, #tpu.memory_space<semaphore_mem>>)
      %dma_wait3A = tpu.memref_slice %arg3[%mul3A_2] : memref<10240xi32, #tpu.memory_space<hbm>> -> memref<320xi32, #tpu.memory_space<hbm>>
      %dma_wait3A_9 = tpu.memref_slice %arg3[%mul3A_2] : memref<10240xi32, #tpu.memory_space<hbm>> -> memref<320xi32, #tpu.memory_space<hbm>>
      tpu.wait_dma2 semaphore(%run_scoped3A : memref<!tpu.dma_semaphore, #tpu.memory_space<semaphore_mem>>) src(%dma_wait3A_9 : memref<320xi32, #tpu.memory_space<hbm>>) dst(%arg5 : memref<320xi32, #tpu.memory_space<vmem>>)
      tpu.yield
    }) : () -> ()
    %scan3A = arith.constant 0 : i32
    %scan3A_3 = arith.constant 0 : i32
    %scan3A_4 = arith.constant 4 : i32
    %scan3A_5 = arith.addi %scan3A_3, %scan3A_4 : i32
    %scan3A_6 = arith.constant 1 : i32
    scf.for %scan3A_8 = %scan3A_3 to %scan3A_5 step %scan3A_6  : i32 {
      %mul3A_9 = arith.constant 80 : i32
      %mul3A_10 = arith.muli %scan3A_8, %mul3A_9 : i32
      %dma_start3A = tpu.memref_slice %arg5[%mul3A_10] : memref<320xi32, #tpu.memory_space<vmem>> -> memref<80xi32, #tpu.memory_space<vmem>>
      %dma_start3A_11 = arith.constant 0 : i32
      %dma_start3A_12 = arith.constant 0 : i32
      %dma_start3A_13 = tpu.memref_slice %arg2[%dma_start3A_11, %dma_start3A_12] : memref<1000x1024xi32, #tpu.memory_space<hbm>> -> memref<1000x1024xi32, #tpu.memory_space<hbm>>
      tpu.enqueue_indirect_dma source(%dma_start3A_13 : memref<1000x1024xi32, #tpu.memory_space<hbm>>) target(%arg6 : memref<80x1024xi32, #tpu.memory_space<vmem>>) offsets(%dma_start3A : memref<80xi32, #tpu.memory_space<vmem>>) semaphore(%arg7 : memref<!tpu.dma_semaphore, #tpu.memory_space<semaphore_mem>>)
      %dma_wait3A = tpu.memref_slice %arg5[%mul3A_10] : memref<320xi32, #tpu.memory_space<vmem>> -> memref<80xi32, #tpu.memory_space<vmem>>
      %dma_wait3A_14 = arith.constant 0 : i32
      %dma_wait3A_15 = arith.constant 0 : i32
      %dma_wait3A_16 = tpu.memref_slice %arg2[%dma_wait3A_14, %dma_wait3A_15] : memref<1000x1024xi32, #tpu.memory_space<hbm>> -> memref<1000x1024xi32, #tpu.memory_space<hbm>>
      tpu.wait_indirect_dma semaphore(%arg7 : memref<!tpu.dma_semaphore, #tpu.memory_space<semaphore_mem>>) src(%dma_wait3A_16 : memref<1000x1024xi32, #tpu.memory_space<hbm>>) dst(%arg6 : memref<80x1024xi32, #tpu.memory_space<vmem>>)
      %add3A_17 = arith.addi %mul3A_2, %mul3A_10 : i32
      "tpu.region"() ({
        %run_scoped3A = tpu.sem_alloc : memref<!tpu.dma_semaphore, #tpu.memory_space<semaphore_mem>>
        %dma_start3A_18 = arith.constant 0 : i32
        %dma_start3A_19 = tpu.memref_slice %arg4[%add3A_17, %dma_start3A_18] : memref<10240x1024xi32, #tpu.memory_space<hbm>> -> memref<80x1024xi32, #tpu.memory_space<hbm>>
        %dma_start3A_20 = arith.constant 0 : i32
        %dma_start3A_21 = tpu.memref_slice %arg4[%add3A_17, %dma_start3A_20] : memref<10240x1024xi32, #tpu.memory_space<hbm>> -> memref<80x1024xi32, #tpu.memory_space<hbm>>
        tpu.enqueue_dma source(%arg6 : memref<80x1024xi32, #tpu.memory_space<vmem>>) target(%dma_start3A_21 : memref<80x1024xi32, #tpu.memory_space<hbm>>) target_semaphore(%run_scoped3A : memref<!tpu.dma_semaphore, #tpu.memory_space<semaphore_mem>>)
        %dma_wait3A_22 = arith.constant 0 : i32
        %dma_wait3A_23 = tpu.memref_slice %arg4[%add3A_17, %dma_wait3A_22] : memref<10240x1024xi32, #tpu.memory_space<hbm>> -> memref<80x1024xi32, #tpu.memory_space<hbm>>
        %dma_wait3A_24 = arith.constant 0 : i32
        %dma_wait3A_25 = tpu.memref_slice %arg4[%add3A_17, %dma_wait3A_24] : memref<10240x1024xi32, #tpu.memory_space<hbm>> -> memref<80x1024xi32, #tpu.memory_space<hbm>>
        tpu.wait_dma2 semaphore(%run_scoped3A : memref<!tpu.dma_semaphore, #tpu.memory_space<semaphore_mem>>) src(%arg6 : memref<80x1024xi32, #tpu.memory_space<vmem>>) dst(%dma_wait3A_25 : memref<80x1024xi32, #tpu.memory_space<hbm>>)
        tpu.yield
      }) : () -> ()
    }
    %scan3A_7 = arith.constant 4 : i32
    return
  }
}

#map = affine_map<(d0, d1) -> (0, 0)>
#map1 = affine_map<(d0, d1) -> (0)>
module attributes {stable_mosaic.version = 14 : i64} {
  func.func @body(%arg0: i32, %arg1: i32, %arg2: memref<1000x1024xi32, #tpu.memory_space<hbm>>, %arg3: memref<10240xi32, #tpu.memory_space<hbm>>, %arg4: memref<10240x1024xi32, #tpu.memory_space<hbm>>, %arg5: memref<320xi32, #tpu.memory_space<vmem>>, %arg6: memref<80x1024xi32, #tpu.memory_space<vmem>>, %arg7: memref<!tpu.dma_semaphore, #tpu.memory_space<semaphore_mem>>) attributes {dimension_semantics = [#tpu.dimension_semantics<core_parallel>, #tpu.dimension_semantics<subcore_parallel>], iteration_bounds = array<i64: 2, 16>, scalar_prefetch = 0 : i64, scratch_operands = 3 : i64, tpu.core_type = #tpu.core_type<sc_vector_subcore>, window_params = [{transform_indices = #map}, {transform_indices = #map1}, {transform_indices = #map}]} {
    %mul3A = arith.constant 2 : i32
    %mul3A_0 = arith.muli %arg1, %mul3A : i32
    %add3A = arith.addi %mul3A_0, %arg0 : i32
    %mul3A_1 = arith.constant 320 : i32
    %mul3A_2 = arith.muli %add3A, %mul3A_1 : i32
    "tpu.region"() ({
      %run_scoped3A = tpu.sem_alloc : memref<!tpu.dma_semaphore, #tpu.memory_space<semaphore_mem>>
      %dma_start3A = tpu.memref_slice %arg3[%mul3A_2] : memref<10240xi32, #tpu.memory_space<hbm>> -> memref<320xi32, #tpu.memory_space<hbm>>
      %dma_start3A_8 = tpu.memref_slice %arg3[%mul3A_2] : memref<10240xi32, #tpu.memory_space<hbm>> -> memref<320xi32, #tpu.memory_space<hbm>>
      tpu.enqueue_dma source(%dma_start3A_8 : memref<320xi32, #tpu.memory_space<hbm>>) target(%arg5 : memref<320xi32, #tpu.memory_space<vmem>>) target_semaphore(%run_scoped3A : memref<!tpu.dma_semaphore, #tpu.memory_space<semaphore_mem>>)
      %dma_wait3A = tpu.memref_slice %arg3[%mul3A_2] : memref<10240xi32, #tpu.memory_space<hbm>> -> memref<320xi32, #tpu.memory_space<hbm>>
      %dma_wait3A_9 = tpu.memref_slice %arg3[%mul3A_2] : memref<10240xi32, #tpu.memory_space<hbm>> -> memref<320xi32, #tpu.memory_space<hbm>>
      tpu.wait_dma2 semaphore(%run_scoped3A : memref<!tpu.dma_semaphore, #tpu.memory_space<semaphore_mem>>) src(%dma_wait3A_9 : memref<320xi32, #tpu.memory_space<hbm>>) dst(%arg5 : memref<320xi32, #tpu.memory_space<vmem>>)
      tpu.yield
    }) : () -> ()
    %scan3A = arith.constant 0 : i32
    %scan3A_3 = arith.constant 0 : i32
    %scan3A_4 = arith.constant 4 : i32
    %scan3A_5 = arith.addi %scan3A_3, %scan3A_4 : i32
    %scan3A_6 = arith.constant 1 : i32
    scf.for %scan3A_8 = %scan3A_3 to %scan3A_5 step %scan3A_6  : i32 {
      %mul3A_9 = arith.constant 80 : i32
      %mul3A_10 = arith.muli %scan3A_8, %mul3A_9 : i32
      %dma_start3A = tpu.memref_slice %arg5[%mul3A_10] : memref<320xi32, #tpu.memory_space<vmem>> -> memref<80xi32, #tpu.memory_space<vmem>>
      %dma_start3A_11 = arith.constant 0 : i32
      %dma_start3A_12 = arith.constant 0 : i32
      %dma_start3A_13 = tpu.memref_slice %arg2[%dma_start3A_11, %dma_start3A_12] : memref<1000x1024xi32, #tpu.memory_space<hbm>> -> memref<1000x1024xi32, #tpu.memory_space<hbm>>
      tpu.enqueue_indirect_dma source(%dma_start3A_13 : memref<1000x1024xi32, #tpu.memory_space<hbm>>) target(%arg6 : memref<80x1024xi32, #tpu.memory_space<vmem>>) offsets(%dma_start3A : memref<80xi32, #tpu.memory_space<vmem>>) semaphore(%arg7 : memref<!tpu.dma_semaphore, #tpu.memory_space<semaphore_mem>>)
      %dma_wait3A = tpu.memref_slice %arg5[%mul3A_10] : memref<320xi32, #tpu.memory_space<vmem>> -> memref<80xi32, #tpu.memory_space<vmem>>
      %dma_wait3A_14 = arith.constant 0 : i32
      %dma_wait3A_15 = arith.constant 0 : i32
      %dma_wait3A_16 = tpu.memref_slice %arg2[%dma_wait3A_14, %dma_wait3A_15] : memref<1000x1024xi32, #tpu.memory_space<hbm>> -> memref<1000x1024xi32, #tpu.memory_space<hbm>>
      tpu.wait_indirect_dma semaphore(%arg7 : memref<!tpu.dma_semaphore, #tpu.memory_space<semaphore_mem>>) src(%dma_wait3A_16 : memref<1000x1024xi32, #tpu.memory_space<hbm>>) dst(%arg6 : memref<80x1024xi32, #tpu.memory_space<vmem>>)
      %add3A_17 = arith.addi %mul3A_2, %mul3A_10 : i32
      "tpu.region"() ({
        %run_scoped3A = tpu.sem_alloc : memref<!tpu.dma_semaphore, #tpu.memory_space<semaphore_mem>>
        %dma_start3A_18 = arith.constant 0 : i32
        %dma_start3A_19 = tpu.memref_slice %arg4[%add3A_17, %dma_start3A_18] : memref<10240x1024xi32, #tpu.memory_space<hbm>> -> memref<80x1024xi32, #tpu.memory_space<hbm>>
        %dma_start3A_20 = arith.constant 0 : i32
        %dma_start3A_21 = tpu.memref_slice %arg4[%add3A_17, %dma_start3A_20] : memref<10240x1024xi32, #tpu.memory_space<hbm>> -> memref<80x1024xi32, #tpu.memory_space<hbm>>
        tpu.enqueue_dma source(%arg6 : memref<80x1024xi32, #tpu.memory_space<vmem>>) target(%dma_start3A_21 : memref<80x1024xi32, #tpu.memory_space<hbm>>) target_semaphore(%run_scoped3A : memref<!tpu.dma_semaphore, #tpu.memory_space<semaphore_mem>>)
        %dma_wait3A_22 = arith.constant 0 : i32
        %dma_wait3A_23 = tpu.memref_slice %arg4[%add3A_17, %dma_wait3A_22] : memref<10240x1024xi32, #tpu.memory_space<hbm>> -> memref<80x1024xi32, #tpu.memory_space<hbm>>
        %dma_wait3A_24 = arith.constant 0 : i32
        %dma_wait3A_25 = tpu.memref_slice %arg4[%add3A_17, %dma_wait3A_24] : memref<10240x1024xi32, #tpu.memory_space<hbm>> -> memref<80x1024xi32, #tpu.memory_space<hbm>>
        tpu.wait_dma2 semaphore(%run_scoped3A : memref<!tpu.dma_semaphore, #tpu.memory_space<semaphore_mem>>) src(%arg6 : memref<80x1024xi32, #tpu.memory_space<vmem>>) dst(%dma_wait3A_25 : memref<80x1024xi32, #tpu.memory_space<hbm>>)
        tpu.yield
      }) : () -> ()
    }
    %scan3A_7 = arith.constant 4 : i32
    return
  }
}

#map = affine_map<(d0, d1) -> (0, 0)>
#map1 = affine_map<(d0, d1) -> (0)>
module attributes {stable_mosaic.version = 14 : i64} {
  func.func @body(%arg0: i32, %arg1: i32, %arg2: memref<1000x1024xi32, #tpu.memory_space<hbm>>, %arg3: memref<10240xi32, #tpu.memory_space<hbm>>, %arg4: memref<10240x1024xi32, #tpu.memory_space<hbm>>, %arg5: memref<320xi32, #tpu.memory_space<vmem>>, %arg6: memref<80x1024xi32, #tpu.memory_space<vmem>>, %arg7: memref<!tpu.dma_semaphore, #tpu.memory_space<semaphore_mem>>) attributes {dimension_semantics = [#tpu.dimension_semantics<core_parallel>, #tpu.dimension_semantics<subcore_parallel>], iteration_bounds = array<i64: 2, 16>, scalar_prefetch = 0 : i64, scratch_operands = 3 : i64, tpu.core_type = #tpu.core_type<sc_vector_subcore>, window_params = [{transform_indices = #map}, {transform_indices = #map1}, {transform_indices = #map}]} {
    %mul3A = arith.constant 2 : i32
    %mul3A_0 = arith.muli %arg1, %mul3A : i32
    %add3A = arith.addi %mul3A_0, %arg0 : i32
    %mul3A_1 = arith.constant 320 : i32
    %mul3A_2 = arith.muli %add3A, %mul3A_1 : i32
    "tpu.region"() ({
      %run_scoped3A = tpu.sem_alloc : memref<!tpu.dma_semaphore, #tpu.memory_space<semaphore_mem>>
      %dma_start3A = tpu.memref_slice %arg3[%mul3A_2] : memref<10240xi32, #tpu.memory_space<hbm>> -> memref<320xi32, #tpu.memory_space<hbm>>
      %dma_start3A_8 = tpu.memref_slice %arg3[%mul3A_2] : memref<10240xi32, #tpu.memory_space<hbm>> -> memref<320xi32, #tpu.memory_space<hbm>>
      tpu.enqueue_dma source(%dma_start3A_8 : memref<320xi32, #tpu.memory_space<hbm>>) target(%arg5 : memref<320xi32, #tpu.memory_space<vmem>>) target_semaphore(%run_scoped3A : memref<!tpu.dma_semaphore, #tpu.memory_space<semaphore_mem>>)
      %dma_wait3A = tpu.memref_slice %arg3[%mul3A_2] : memref<10240xi32, #tpu.memory_space<hbm>> -> memref<320xi32, #tpu.memory_space<hbm>>
      %dma_wait3A_9 = tpu.memref_slice %arg3[%mul3A_2] : memref<10240xi32, #tpu.memory_space<hbm>> -> memref<320xi32, #tpu.memory_space<hbm>>
      tpu.wait_dma2 semaphore(%run_scoped3A : memref<!tpu.dma_semaphore, #tpu.memory_space<semaphore_mem>>) src(%dma_wait3A_9 : memref<320xi32, #tpu.memory_space<hbm>>) dst(%arg5 : memref<320xi32, #tpu.memory_space<vmem>>)
      tpu.yield
    }) : () -> ()
    %scan3A = arith.constant 0 : i32
    %scan3A_3 = arith.constant 0 : i32
    %scan3A_4 = arith.constant 4 : i32
    %scan3A_5 = arith.addi %scan3A_3, %scan3A_4 : i32
    %scan3A_6 = arith.constant 1 : i32
    scf.for %scan3A_8 = %scan3A_3 to %scan3A_5 step %scan3A_6  : i32 {
      %mul3A_9 = arith.constant 80 : i32
      %mul3A_10 = arith.muli %scan3A_8, %mul3A_9 : i32
      %dma_start3A = tpu.memref_slice %arg5[%mul3A_10] : memref<320xi32, #tpu.memory_space<vmem>> -> memref<80xi32, #tpu.memory_space<vmem>>
      %dma_start3A_11 = arith.constant 0 : i32
      %dma_start3A_12 = arith.constant 0 : i32
      %dma_start3A_13 = tpu.memref_slice %arg2[%dma_start3A_11, %dma_start3A_12] : memref<1000x1024xi32, #tpu.memory_space<hbm>> -> memref<1000x1024xi32, #tpu.memory_space<hbm>>
      tpu.enqueue_indirect_dma source(%dma_start3A_13 : memref<1000x1024xi32, #tpu.memory_space<hbm>>) target(%arg6 : memref<80x1024xi32, #tpu.memory_space<vmem>>) offsets(%dma_start3A : memref<80xi32, #tpu.memory_space<vmem>>) semaphore(%arg7 : memref<!tpu.dma_semaphore, #tpu.memory_space<semaphore_mem>>)
      %dma_wait3A = tpu.memref_slice %arg5[%mul3A_10] : memref<320xi32, #tpu.memory_space<vmem>> -> memref<80xi32, #tpu.memory_space<vmem>>
      %dma_wait3A_14 = arith.constant 0 : i32
      %dma_wait3A_15 = arith.constant 0 : i32
      %dma_wait3A_16 = tpu.memref_slice %arg2[%dma_wait3A_14, %dma_wait3A_15] : memref<1000x1024xi32, #tpu.memory_space<hbm>> -> memref<1000x1024xi32, #tpu.memory_space<hbm>>
      tpu.wait_indirect_dma semaphore(%arg7 : memref<!tpu.dma_semaphore, #tpu.memory_space<semaphore_mem>>) src(%dma_wait3A_16 : memref<1000x1024xi32, #tpu.memory_space<hbm>>) dst(%arg6 : memref<80x1024xi32, #tpu.memory_space<vmem>>)
      %add3A_17 = arith.addi %mul3A_2, %mul3A_10 : i32
      "tpu.region"() ({
        %run_scoped3A = tpu.sem_alloc : memref<!tpu.dma_semaphore, #tpu.memory_space<semaphore_mem>>
        %dma_start3A_18 = arith.constant 0 : i32
        %dma_start3A_19 = tpu.memref_slice %arg4[%add3A_17, %dma_start3A_18] : memref<10240x1024xi32, #tpu.memory_space<hbm>> -> memref<80x1024xi32, #tpu.memory_space<hbm>>
        %dma_start3A_20 = arith.constant 0 : i32
        %dma_start3A_21 = tpu.memref_slice %arg4[%add3A_17, %dma_start3A_20] : memref<10240x1024xi32, #tpu.memory_space<hbm>> -> memref<80x1024xi32, #tpu.memory_space<hbm>>
        tpu.enqueue_dma source(%arg6 : memref<80x1024xi32, #tpu.memory_space<vmem>>) target(%dma_start3A_21 : memref<80x1024xi32, #tpu.memory_space<hbm>>) target_semaphore(%run_scoped3A : memref<!tpu.dma_semaphore, #tpu.memory_space<semaphore_mem>>)
        %dma_wait3A_22 = arith.constant 0 : i32
        %dma_wait3A_23 = tpu.memref_slice %arg4[%add3A_17, %dma_wait3A_22] : memref<10240x1024xi32, #tpu.memory_space<hbm>> -> memref<80x1024xi32, #tpu.memory_space<hbm>>
        %dma_wait3A_24 = arith.constant 0 : i32
        %dma_wait3A_25 = tpu.memref_slice %arg4[%add3A_17, %dma_wait3A_24] : memref<10240x1024xi32, #tpu.memory_space<hbm>> -> memref<80x1024xi32, #tpu.memory_space<hbm>>
        tpu.wait_dma2 semaphore(%run_scoped3A : memref<!tpu.dma_semaphore, #tpu.memory_space<semaphore_mem>>) src(%arg6 : memref<80x1024xi32, #tpu.memory_space<vmem>>) dst(%dma_wait3A_25 : memref<80x1024xi32, #tpu.memory_space<hbm>>)
        tpu.yield
      }) : () -> ()
    }
    %scan3A_7 = arith.constant 4 : i32
    return
  }
}

#map = affine_map<(d0, d1) -> (0, 0)>
#map1 = affine_map<(d0, d1) -> (0)>
module attributes {stable_mosaic.version = 14 : i64} {
  func.func @body(%arg0: i32, %arg1: i32, %arg2: memref<1000x1024xi32, #tpu.memory_space<hbm>>, %arg3: memref<10240xi32, #tpu.memory_space<hbm>>, %arg4: memref<10240x1024xi32, #tpu.memory_space<hbm>>, %arg5: memref<320xi32, #tpu.memory_space<vmem>>, %arg6: memref<80x1024xi32, #tpu.memory_space<vmem>>, %arg7: memref<!tpu.dma_semaphore, #tpu.memory_space<semaphore_mem>>) attributes {dimension_semantics = [#tpu.dimension_semantics<core_parallel>, #tpu.dimension_semantics<subcore_parallel>], iteration_bounds = array<i64: 2, 16>, scalar_prefetch = 0 : i64, scratch_operands = 3 : i64, tpu.core_type = #tpu.core_type<sc_vector_subcore>, window_params = [{transform_indices = #map}, {transform_indices = #map1}, {transform_indices = #map}]} {
    %mul3A = arith.constant 2 : i32
    %mul3A_0 = arith.muli %arg1, %mul3A : i32
    %add3A = arith.addi %mul3A_0, %arg0 : i32
    %mul3A_1 = arith.constant 320 : i32
    %mul3A_2 = arith.muli %add3A, %mul3A_1 : i32
    "tpu.region"() ({
      %run_scoped3A = tpu.sem_alloc : memref<!tpu.dma_semaphore, #tpu.memory_space<semaphore_mem>>
      %dma_start3A = tpu.memref_slice %arg3[%mul3A_2] : memref<10240xi32, #tpu.memory_space<hbm>> -> memref<320xi32, #tpu.memory_space<hbm>>
      %dma_start3A_8 = tpu.memref_slice %arg3[%mul3A_2] : memref<10240xi32, #tpu.memory_space<hbm>> -> memref<320xi32, #tpu.memory_space<hbm>>
      tpu.enqueue_dma source(%dma_start3A_8 : memref<320xi32, #tpu.memory_space<hbm>>) target(%arg5 : memref<320xi32, #tpu.memory_space<vmem>>) target_semaphore(%run_scoped3A : memref<!tpu.dma_semaphore, #tpu.memory_space<semaphore_mem>>)
      %dma_wait3A = tpu.memref_slice %arg3[%mul3A_2] : memref<10240xi32, #tpu.memory_space<hbm>> -> memref<320xi32, #tpu.memory_space<hbm>>
      %dma_wait3A_9 = tpu.memref_slice %arg3[%mul3A_2] : memref<10240xi32, #tpu.memory_space<hbm>> -> memref<320xi32, #tpu.memory_space<hbm>>
      tpu.wait_dma2 semaphore(%run_scoped3A : memref<!tpu.dma_semaphore, #tpu.memory_space<semaphore_mem>>) src(%dma_wait3A_9 : memref<320xi32, #tpu.memory_space<hbm>>) dst(%arg5 : memref<320xi32, #tpu.memory_space<vmem>>)
      tpu.yield
    }) : () -> ()
    %scan3A = arith.constant 0 : i32
    %scan3A_3 = arith.constant 0 : i32
    %scan3A_4 = arith.constant 4 : i32
    %scan3A_5 = arith.addi %scan3A_3, %scan3A_4 : i32
    %scan3A_6 = arith.constant 1 : i32
    scf.for %scan3A_8 = %scan3A_3 to %scan3A_5 step %scan3A_6  : i32 {
      %mul3A_9 = arith.constant 80 : i32
      %mul3A_10 = arith.muli %scan3A_8, %mul3A_9 : i32
      %dma_start3A = tpu.memref_slice %arg5[%mul3A_10] : memref<320xi32, #tpu.memory_space<vmem>> -> memref<80xi32, #tpu.memory_space<vmem>>
      %dma_start3A_11 = arith.constant 0 : i32
      %dma_start3A_12 = arith.constant 0 : i32
      %dma_start3A_13 = tpu.memref_slice %arg2[%dma_start3A_11, %dma_start3A_12] : memref<1000x1024xi32, #tpu.memory_space<hbm>> -> memref<1000x1024xi32, #tpu.memory_space<hbm>>
      tpu.enqueue_indirect_dma source(%dma_start3A_13 : memref<1000x1024xi32, #tpu.memory_space<hbm>>) target(%arg6 : memref<80x1024xi32, #tpu.memory_space<vmem>>) offsets(%dma_start3A : memref<80xi32, #tpu.memory_space<vmem>>) semaphore(%arg7 : memref<!tpu.dma_semaphore, #tpu.memory_space<semaphore_mem>>)
      %dma_wait3A = tpu.memref_slice %arg5[%mul3A_10] : memref<320xi32, #tpu.memory_space<vmem>> -> memref<80xi32, #tpu.memory_space<vmem>>
      %dma_wait3A_14 = arith.constant 0 : i32
      %dma_wait3A_15 = arith.constant 0 : i32
      %dma_wait3A_16 = tpu.memref_slice %arg2[%dma_wait3A_14, %dma_wait3A_15] : memref<1000x1024xi32, #tpu.memory_space<hbm>> -> memref<1000x1024xi32, #tpu.memory_space<hbm>>
      tpu.wait_indirect_dma semaphore(%arg7 : memref<!tpu.dma_semaphore, #tpu.memory_space<semaphore_mem>>) src(%dma_wait3A_16 : memref<1000x1024xi32, #tpu.memory_space<hbm>>) dst(%arg6 : memref<80x1024xi32, #tpu.memory_space<vmem>>)
      %add3A_17 = arith.addi %mul3A_2, %mul3A_10 : i32
      "tpu.region"() ({
        %run_scoped3A = tpu.sem_alloc : memref<!tpu.dma_semaphore, #tpu.memory_space<semaphore_mem>>
        %dma_start3A_18 = arith.constant 0 : i32
        %dma_start3A_19 = tpu.memref_slice %arg4[%add3A_17, %dma_start3A_18] : memref<10240x1024xi32, #tpu.memory_space<hbm>> -> memref<80x1024xi32, #tpu.memory_space<hbm>>
        %dma_start3A_20 = arith.constant 0 : i32
        %dma_start3A_21 = tpu.memref_slice %arg4[%add3A_17, %dma_start3A_20] : memref<10240x1024xi32, #tpu.memory_space<hbm>> -> memref<80x1024xi32, #tpu.memory_space<hbm>>
        tpu.enqueue_dma source(%arg6 : memref<80x1024xi32, #tpu.memory_space<vmem>>) target(%dma_start3A_21 : memref<80x1024xi32, #tpu.memory_space<hbm>>) target_semaphore(%run_scoped3A : memref<!tpu.dma_semaphore, #tpu.memory_space<semaphore_mem>>)
        %dma_wait3A_22 = arith.constant 0 : i32
        %dma_wait3A_23 = tpu.memref_slice %arg4[%add3A_17, %dma_wait3A_22] : memref<10240x1024xi32, #tpu.memory_space<hbm>> -> memref<80x1024xi32, #tpu.memory_space<hbm>>
        %dma_wait3A_24 = arith.constant 0 : i32
        %dma_wait3A_25 = tpu.memref_slice %arg4[%add3A_17, %dma_wait3A_24] : memref<10240x1024xi32, #tpu.memory_space<hbm>> -> memref<80x1024xi32, #tpu.memory_space<hbm>>
        tpu.wait_dma2 semaphore(%run_scoped3A : memref<!tpu.dma_semaphore, #tpu.memory_space<semaphore_mem>>) src(%arg6 : memref<80x1024xi32, #tpu.memory_space<vmem>>) dst(%dma_wait3A_25 : memref<80x1024xi32, #tpu.memory_space<hbm>>)
        tpu.yield
      }) : () -> ()
    }
    %scan3A_7 = arith.constant 4 : i32
    return
  }
}

#map = affine_map<(d0, d1) -> (0, 0)>
#map1 = affine_map<(d0, d1) -> (0)>
module attributes {stable_mosaic.version = 14 : i64} {
  func.func @body(%arg0: i32, %arg1: i32, %arg2: memref<1000x1024xi32, #tpu.memory_space<hbm>>, %arg3: memref<10240xi32, #tpu.memory_space<hbm>>, %arg4: memref<10240x1024xi32, #tpu.memory_space<hbm>>, %arg5: memref<320xi32, #tpu.memory_space<vmem>>, %arg6: memref<80x1024xi32, #tpu.memory_space<vmem>>, %arg7: memref<!tpu.dma_semaphore, #tpu.memory_space<semaphore_mem>>) attributes {dimension_semantics = [#tpu.dimension_semantics<core_parallel>, #tpu.dimension_semantics<subcore_parallel>], iteration_bounds = array<i64: 2, 16>, scalar_prefetch = 0 : i64, scratch_operands = 3 : i64, tpu.core_type = #tpu.core_type<sc_vector_subcore>, window_params = [{transform_indices = #map}, {transform_indices = #map1}, {transform_indices = #map}]} {
    %mul3A = arith.constant 2 : i32
    %mul3A_0 = arith.muli %arg1, %mul3A : i32
    %add3A = arith.addi %mul3A_0, %arg0 : i32
    %mul3A_1 = arith.constant 320 : i32
    %mul3A_2 = arith.muli %add3A, %mul3A_1 : i32
    "tpu.region"() ({
      %run_scoped3A = tpu.sem_alloc : memref<!tpu.dma_semaphore, #tpu.memory_space<semaphore_mem>>
      %dma_start3A = tpu.memref_slice %arg3[%mul3A_2] : memref<10240xi32, #tpu.memory_space<hbm>> -> memref<320xi32, #tpu.memory_space<hbm>>
      %dma_start3A_8 = tpu.memref_slice %arg3[%mul3A_2] : memref<10240xi32, #tpu.memory_space<hbm>> -> memref<320xi32, #tpu.memory_space<hbm>>
      tpu.enqueue_dma source(%dma_start3A_8 : memref<320xi32, #tpu.memory_space<hbm>>) target(%arg5 : memref<320xi32, #tpu.memory_space<vmem>>) target_semaphore(%run_scoped3A : memref<!tpu.dma_semaphore, #tpu.memory_space<semaphore_mem>>)
      %dma_wait3A = tpu.memref_slice %arg3[%mul3A_2] : memref<10240xi32, #tpu.memory_space<hbm>> -> memref<320xi32, #tpu.memory_space<hbm>>
      %dma_wait3A_9 = tpu.memref_slice %arg3[%mul3A_2] : memref<10240xi32, #tpu.memory_space<hbm>> -> memref<320xi32, #tpu.memory_space<hbm>>
      tpu.wait_dma2 semaphore(%run_scoped3A : memref<!tpu.dma_semaphore, #tpu.memory_space<semaphore_mem>>) src(%dma_wait3A_9 : memref<320xi32, #tpu.memory_space<hbm>>) dst(%arg5 : memref<320xi32, #tpu.memory_space<vmem>>)
      tpu.yield
    }) : () -> ()
    %scan3A = arith.constant 0 : i32
    %scan3A_3 = arith.constant 0 : i32
    %scan3A_4 = arith.constant 4 : i32
    %scan3A_5 = arith.addi %scan3A_3, %scan3A_4 : i32
    %scan3A_6 = arith.constant 1 : i32
    scf.for %scan3A_8 = %scan3A_3 to %scan3A_5 step %scan3A_6  : i32 {
      %mul3A_9 = arith.constant 80 : i32
      %mul3A_10 = arith.muli %scan3A_8, %mul3A_9 : i32
      %dma_start3A = tpu.memref_slice %arg5[%mul3A_10] : memref<320xi32, #tpu.memory_space<vmem>> -> memref<80xi32, #tpu.memory_space<vmem>>
      %dma_start3A_11 = arith.constant 0 : i32
      %dma_start3A_12 = arith.constant 0 : i32
      %dma_start3A_13 = tpu.memref_slice %arg2[%dma_start3A_11, %dma_start3A_12] : memref<1000x1024xi32, #tpu.memory_space<hbm>> -> memref<1000x1024xi32, #tpu.memory_space<hbm>>
      tpu.enqueue_indirect_dma source(%dma_start3A_13 : memref<1000x1024xi32, #tpu.memory_space<hbm>>) target(%arg6 : memref<80x1024xi32, #tpu.memory_space<vmem>>) offsets(%dma_start3A : memref<80xi32, #tpu.memory_space<vmem>>) semaphore(%arg7 : memref<!tpu.dma_semaphore, #tpu.memory_space<semaphore_mem>>)
      %dma_wait3A = tpu.memref_slice %arg5[%mul3A_10] : memref<320xi32, #tpu.memory_space<vmem>> -> memref<80xi32, #tpu.memory_space<vmem>>
      %dma_wait3A_14 = arith.constant 0 : i32
      %dma_wait3A_15 = arith.constant 0 : i32
      %dma_wait3A_16 = tpu.memref_slice %arg2[%dma_wait3A_14, %dma_wait3A_15] : memref<1000x1024xi32, #tpu.memory_space<hbm>> -> memref<1000x1024xi32, #tpu.memory_space<hbm>>
      tpu.wait_indirect_dma semaphore(%arg7 : memref<!tpu.dma_semaphore, #tpu.memory_space<semaphore_mem>>) src(%dma_wait3A_16 : memref<1000x1024xi32, #tpu.memory_space<hbm>>) dst(%arg6 : memref<80x1024xi32, #tpu.memory_space<vmem>>)
      %add3A_17 = arith.addi %mul3A_2, %mul3A_10 : i32
      "tpu.region"() ({
        %run_scoped3A = tpu.sem_alloc : memref<!tpu.dma_semaphore, #tpu.memory_space<semaphore_mem>>
        %dma_start3A_18 = arith.constant 0 : i32
        %dma_start3A_19 = tpu.memref_slice %arg4[%add3A_17, %dma_start3A_18] : memref<10240x1024xi32, #tpu.memory_space<hbm>> -> memref<80x1024xi32, #tpu.memory_space<hbm>>
        %dma_start3A_20 = arith.constant 0 : i32
        %dma_start3A_21 = tpu.memref_slice %arg4[%add3A_17, %dma_start3A_20] : memref<10240x1024xi32, #tpu.memory_space<hbm>> -> memref<80x1024xi32, #tpu.memory_space<hbm>>
        tpu.enqueue_dma source(%arg6 : memref<80x1024xi32, #tpu.memory_space<vmem>>) target(%dma_start3A_21 : memref<80x1024xi32, #tpu.memory_space<hbm>>) target_semaphore(%run_scoped3A : memref<!tpu.dma_semaphore, #tpu.memory_space<semaphore_mem>>)
        %dma_wait3A_22 = arith.constant 0 : i32
        %dma_wait3A_23 = tpu.memref_slice %arg4[%add3A_17, %dma_wait3A_22] : memref<10240x1024xi32, #tpu.memory_space<hbm>> -> memref<80x1024xi32, #tpu.memory_space<hbm>>
        %dma_wait3A_24 = arith.constant 0 : i32
        %dma_wait3A_25 = tpu.memref_slice %arg4[%add3A_17, %dma_wait3A_24] : memref<10240x1024xi32, #tpu.memory_space<hbm>> -> memref<80x1024xi32, #tpu.memory_space<hbm>>
        tpu.wait_dma2 semaphore(%run_scoped3A : memref<!tpu.dma_semaphore, #tpu.memory_space<semaphore_mem>>) src(%arg6 : memref<80x1024xi32, #tpu.memory_space<vmem>>) dst(%dma_wait3A_25 : memref<80x1024xi32, #tpu.memory_space<hbm>>)
        tpu.yield
      }) : () -> ()
    }
    %scan3A_7 = arith.constant 4 : i32
    return
  }
}

module attributes {stable_mosaic.version = 14 : i64} {
  func.func @_proj_body(%arg0: memref<1000x512xf32, #tpu.memory_space<vmem>>, %arg1: memref<512x2048xf32, #tpu.memory_space<vmem>>, %arg2: memref<1x2048xf32, #tpu.memory_space<vmem>>, %arg3: memref<1000x1024xi32, #tpu.memory_space<vmem>>) attributes {dimension_semantics = [], scalar_prefetch = 0 : i64, scratch_operands = 0 : i64, tpu.core_type = #tpu.core_type<tc>} {
    %get3A = arith.constant 0 : index
    %get3A_0 = arith.constant 0 : index
    %get3A_1 = vector.load %arg0[%get3A, %get3A_0] : memref<1000x512xf32, #tpu.memory_space<vmem>>, vector<1000x512xf32>
    %get3A_2 = arith.constant 0 : index
    %get3A_3 = arith.constant 0 : index
    %get3A_4 = vector.load %arg1[%get3A_2, %get3A_3] : memref<512x2048xf32, #tpu.memory_space<vmem>>, vector<512x2048xf32>
    %dot_general3A = arith.constant dense<0.000000e+00> : vector<1000x2048xf32>
    %dot_general3A_5 = tpu.matmul %get3A_1, %get3A_4, %dot_general3A {dimension_numbers = #tpu.dot_dimension_numbers<[1], [0], [0], [1], [0, 0, 1, 1], [], []>, transpose_lhs_hint = false} : vector<1000x512xf32>, vector<512x2048xf32>, vector<1000x2048xf32> -> vector<1000x2048xf32>
    %get3A_6 = arith.constant 0 : index
    %get3A_7 = arith.constant 0 : index
    %get3A_8 = vector.load %arg2[%get3A_6, %get3A_7] : memref<1x2048xf32, #tpu.memory_space<vmem>>, vector<1x2048xf32>
    %add3A = vector.broadcast %get3A_8 : vector<1x2048xf32> to vector<1000x2048xf32>
    %add3A_9 = arith.addf %dot_general3A_5, %add3A : vector<1000x2048xf32>
    %slice3A = vector.extract_strided_slice %add3A_9 {offsets = [0, 0], sizes = [1000, 1024], strides = [1, 1]} : vector<1000x2048xf32> to vector<1000x1024xf32>
    %bitcast_convert_type3A = tpu.bitcast %slice3A : vector<1000x1024xf32> -> vector<1000x1024xi32>
    %add3A_10 = arith.constant 32768 : i32
    %add3A_11 = vector.broadcast %add3A_10 : i32 to vector<1000x1024xi32>
    %add3A_12 = arith.addi %bitcast_convert_type3A, %add3A_11 : vector<1000x1024xi32>
    %slice3A_13 = vector.extract_strided_slice %add3A_9 {offsets = [0, 1024], sizes = [1000, 1024], strides = [1, 1]} : vector<1000x2048xf32> to vector<1000x1024xf32>
    %bitcast_convert_type3A_14 = tpu.bitcast %slice3A_13 : vector<1000x1024xf32> -> vector<1000x1024xi32>
    %add3A_15 = arith.constant 32768 : i32
    %add3A_16 = vector.broadcast %add3A_15 : i32 to vector<1000x1024xi32>
    %add3A_17 = arith.addi %bitcast_convert_type3A_14, %add3A_16 : vector<1000x1024xi32>
    %shift_right_logical3A = arith.constant 16 : i32
    %shift_right_logical3A_18 = vector.broadcast %shift_right_logical3A : i32 to vector<1000x1024xi32>
    %shift_right_logical3A_19 = arith.shrui %add3A_12, %shift_right_logical3A_18 : vector<1000x1024xi32>
    %and3A = arith.constant -65536 : i32
    %and3A_20 = vector.broadcast %and3A : i32 to vector<1000x1024xi32>
    %and3A_21 = arith.andi %add3A_17, %and3A_20 : vector<1000x1024xi32>
    %or3A = arith.ori %and3A_21, %shift_right_logical3A_19 : vector<1000x1024xi32>
    %swap3A = arith.constant 0 : index
    %swap3A_22 = arith.constant 0 : index
    %swap3A_23 = vector.load %arg3[%swap3A, %swap3A_22] : memref<1000x1024xi32, #tpu.memory_space<vmem>>, vector<1000x1024xi32>
    tpu.vector_store %arg3[%swap3A, %swap3A_22], %or3A {strides = array<i32>} : memref<1000x1024xi32, #tpu.memory_space<vmem>>, vector<1000x1024xi32>,
    return
  }
}

module attributes {stable_mosaic.version = 14 : i64} {
  func.func @_lstm_body(%arg0: i32, %arg1: memref<1x1024x1024xi32, #tpu.memory_space<vmem>>, %arg2: memref<512x2048xbf16, #tpu.memory_space<vmem>>, %arg3: memref<1024x512xbf16, #tpu.memory_space<vmem>>, %arg4: memref<1024x512xf32, #tpu.memory_space<vmem>>, %arg5: memref<1024x512xbf16, #tpu.memory_space<vmem>>, %arg6: memref<1024x512xf32, #tpu.memory_space<vmem>>) attributes {dimension_semantics = [#tpu.dimension_semantics<arbitrary>], iteration_bounds = array<i64: 10>, scalar_prefetch = 0 : i64, scratch_operands = 0 : i64, tpu.core_type = #tpu.core_type<tc>, window_params = [{transform_indices = @transform_0, window_bounds = array<i64: 1, 1024, 1024>}, {pipeline_mode = #tpu.pipeline_mode<synchronous>, transform_indices = @transform_1, window_bounds = array<i64: 512, 2048>}, {pipeline_mode = #tpu.pipeline_mode<synchronous>, transform_indices = @transform_2, window_bounds = array<i64: 1024, 512>}, {pipeline_mode = #tpu.pipeline_mode<synchronous>, transform_indices = @transform_3, window_bounds = array<i64: 1024, 512>}, {pipeline_mode = #tpu.pipeline_mode<synchronous>, transform_indices = @transform_4, window_bounds = array<i64: 1024, 512>}, {pipeline_mode = #tpu.pipeline_mode<synchronous>, transform_indices = @transform_5, window_bounds = array<i64: 1024, 512>}]} {
    %eq3A = arith.constant 0 : i32
    %eq3A_0 = arith.cmpi eq, %arg0, %eq3A : i32
    %convert_element_type3A = arith.extui %eq3A_0 : i1 to i32
    %cond3A = arith.constant 0 : i32
    %cond3A_1 = arith.cmpi ne, %convert_element_type3A, %cond3A : i32
    scf.if %cond3A_1 {
      %get3A_58 = arith.constant 0 : index
      %get3A_59 = arith.constant 0 : index
      %get3A_60 = vector.load %arg3[%get3A_58, %get3A_59] : memref<1024x512xbf16, #tpu.memory_space<vmem>>, vector<1024x512xbf16>
      %swap3A_61 = arith.constant 0 : index
      %swap3A_62 = arith.constant 0 : index
      %swap3A_63 = vector.load %arg5[%swap3A_61, %swap3A_62] : memref<1024x512xbf16, #tpu.memory_space<vmem>>, vector<1024x512xbf16>
      tpu.vector_store %arg5[%swap3A_61, %swap3A_62], %get3A_60 {strides = array<i32>} : memref<1024x512xbf16, #tpu.memory_space<vmem>>, vector<1024x512xbf16>,
      %get3A_64 = arith.constant 0 : index
      %get3A_65 = arith.constant 0 : index
      %get3A_66 = vector.load %arg4[%get3A_64, %get3A_65] : memref<1024x512xf32, #tpu.memory_space<vmem>>, vector<1024x512xf32>
      %swap3A_67 = arith.constant 0 : index
      %swap3A_68 = arith.constant 0 : index
      %swap3A_69 = vector.load %arg6[%swap3A_67, %swap3A_68] : memref<1024x512xf32, #tpu.memory_space<vmem>>, vector<1024x512xf32>
      tpu.vector_store %arg6[%swap3A_67, %swap3A_68], %get3A_66 {strides = array<i32>} : memref<1024x512xf32, #tpu.memory_space<vmem>>, vector<1024x512xf32>,
    } else {
    }
    %get3A = arith.constant 0 : index
    %get3A_2 = arith.constant 0 : index
    %get3A_3 = arith.constant 0 : index
    %get3A_4 = vector.load %arg1[%get3A, %get3A_2, %get3A_3] : memref<1x1024x1024xi32, #tpu.memory_space<vmem>>, vector<1x1024x1024xi32>
    %get3A_5 = vector.shape_cast %get3A_4 : vector<1x1024x1024xi32> to vector<1024x1024xi32>
    %shift_left3A = arith.constant 16 : i32
    %shift_left3A_6 = vector.broadcast %shift_left3A : i32 to vector<1024x1024xi32>
    %shift_left3A_7 = arith.shli %get3A_5, %shift_left3A_6 : vector<1024x1024xi32>
    %bitcast_convert_type3A = tpu.bitcast %shift_left3A_7 : vector<1024x1024xi32> -> vector<1024x1024xf32>
    %and3A = arith.constant -65536 : i32
    %and3A_8 = vector.broadcast %and3A : i32 to vector<1024x1024xi32>
    %and3A_9 = arith.andi %get3A_5, %and3A_8 : vector<1024x1024xi32>
    %bitcast_convert_type3A_10 = tpu.bitcast %and3A_9 : vector<1024x1024xi32> -> vector<1024x1024xf32>
    %get3A_11 = arith.constant 0 : index
    %get3A_12 = arith.constant 0 : index
    %get3A_13 = vector.load %arg5[%get3A_11, %get3A_12] : memref<1024x512xbf16, #tpu.memory_space<vmem>>, vector<1024x512xbf16>
    %get3A_14 = arith.constant 0 : index
    %get3A_15 = arith.constant 0 : index
    %get3A_16 = vector.load %arg2[%get3A_14, %get3A_15] : memref<512x2048xbf16, #tpu.memory_space<vmem>>, vector<512x2048xbf16>
    %dot_general3A = arith.constant dense<0.000000e+00> : vector<1024x2048xf32>
    %dot_general3A_17 = tpu.matmul %get3A_13, %get3A_16, %dot_general3A {dimension_numbers = #tpu.dot_dimension_numbers<[1], [0], [0], [1], [0, 0, 1, 1], [], []>, transpose_lhs_hint = false} : vector<1024x512xbf16>, vector<512x2048xbf16>, vector<1024x2048xf32> -> vector<1024x2048xf32>
    %slice3A = vector.extract_strided_slice %bitcast_convert_type3A {offsets = [0, 0], sizes = [1024, 512], strides = [1, 1]} : vector<1024x1024xf32> to vector<1024x512xf32>
    %slice3A_18 = vector.extract_strided_slice %dot_general3A_17 {offsets = [0, 0], sizes = [1024, 512], strides = [1, 1]} : vector<1024x2048xf32> to vector<1024x512xf32>
    %add3A = arith.addf %slice3A, %slice3A_18 : vector<1024x512xf32>
    %logistic3A = arith.negf %add3A : vector<1024x512xf32>
    %logistic3A_19 = math.exp %logistic3A : vector<1024x512xf32>
    %logistic3A_20 = arith.constant 1.000000e+00 : f32
    %logistic3A_21 = vector.broadcast %logistic3A_20 : f32 to vector<1024x512xf32>
    %logistic3A_22 = arith.addf %logistic3A_21, %logistic3A_19 : vector<1024x512xf32>
    %logistic3A_23 = arith.divf %logistic3A_21, %logistic3A_22 : vector<1024x512xf32>
    %slice3A_24 = vector.extract_strided_slice %bitcast_convert_type3A {offsets = [0, 512], sizes = [1024, 512], strides = [1, 1]} : vector<1024x1024xf32> to vector<1024x512xf32>
    %slice3A_25 = vector.extract_strided_slice %dot_general3A_17 {offsets = [0, 512], sizes = [1024, 512], strides = [1, 1]} : vector<1024x2048xf32> to vector<1024x512xf32>
    %add3A_26 = arith.addf %slice3A_24, %slice3A_25 : vector<1024x512xf32>
    %logistic3A_27 = arith.negf %add3A_26 : vector<1024x512xf32>
    %logistic3A_28 = math.exp %logistic3A_27 : vector<1024x512xf32>
    %logistic3A_29 = arith.constant 1.000000e+00 : f32
    %logistic3A_30 = vector.broadcast %logistic3A_29 : f32 to vector<1024x512xf32>
    %logistic3A_31 = arith.addf %logistic3A_30, %logistic3A_28 : vector<1024x512xf32>
    %logistic3A_32 = arith.divf %logistic3A_30, %logistic3A_31 : vector<1024x512xf32>
    %slice3A_33 = vector.extract_strided_slice %bitcast_convert_type3A_10 {offsets = [0, 0], sizes = [1024, 512], strides = [1, 1]} : vector<1024x1024xf32> to vector<1024x512xf32>
    %slice3A_34 = vector.extract_strided_slice %dot_general3A_17 {offsets = [0, 1024], sizes = [1024, 512], strides = [1, 1]} : vector<1024x2048xf32> to vector<1024x512xf32>
    %add3A_35 = arith.addf %slice3A_33, %slice3A_34 : vector<1024x512xf32>
    %tanh3A = math.tanh %add3A_35 : vector<1024x512xf32>
    %slice3A_36 = vector.extract_strided_slice %bitcast_convert_type3A_10 {offsets = [0, 512], sizes = [1024, 512], strides = [1, 1]} : vector<1024x1024xf32> to vector<1024x512xf32>
    %slice3A_37 = vector.extract_strided_slice %dot_general3A_17 {offsets = [0, 1536], sizes = [1024, 512], strides = [1, 1]} : vector<1024x2048xf32> to vector<1024x512xf32>
    %add3A_38 = arith.addf %slice3A_36, %slice3A_37 : vector<1024x512xf32>
    %logistic3A_39 = arith.negf %add3A_38 : vector<1024x512xf32>
    %logistic3A_40 = math.exp %logistic3A_39 : vector<1024x512xf32>
    %logistic3A_41 = arith.constant 1.000000e+00 : f32
    %logistic3A_42 = vector.broadcast %logistic3A_41 : f32 to vector<1024x512xf32>
    %logistic3A_43 = arith.addf %logistic3A_42, %logistic3A_40 : vector<1024x512xf32>
    %logistic3A_44 = arith.divf %logistic3A_42, %logistic3A_43 : vector<1024x512xf32>
    %get3A_45 = arith.constant 0 : index
    %get3A_46 = arith.constant 0 : index
    %get3A_47 = vector.load %arg6[%get3A_45, %get3A_46] : memref<1024x512xf32, #tpu.memory_space<vmem>>, vector<1024x512xf32>
    %mul3A = arith.mulf %logistic3A_32, %get3A_47 : vector<1024x512xf32>
    %mul3A_48 = arith.mulf %logistic3A_23, %tanh3A : vector<1024x512xf32>
    %add3A_49 = arith.addf %mul3A, %mul3A_48 : vector<1024x512xf32>
    %tanh3A_50 = math.tanh %add3A_49 : vector<1024x512xf32>
    %mul3A_51 = arith.mulf %logistic3A_44, %tanh3A_50 : vector<1024x512xf32>
    %swap3A = arith.constant 0 : index
    %swap3A_52 = arith.constant 0 : index
    %swap3A_53 = vector.load %arg6[%swap3A, %swap3A_52] : memref<1024x512xf32, #tpu.memory_space<vmem>>, vector<1024x512xf32>
    tpu.vector_store %arg6[%swap3A, %swap3A_52], %add3A_49 {strides = array<i32>} : memref<1024x512xf32, #tpu.memory_space<vmem>>, vector<1024x512xf32>,
    %convert_element_type3A_54 = arith.truncf %mul3A_51 : vector<1024x512xf32> to vector<1024x512xbf16>
    %swap3A_55 = arith.constant 0 : index
    %swap3A_56 = arith.constant 0 : index
    %swap3A_57 = vector.load %arg5[%swap3A_55, %swap3A_56] : memref<1024x512xbf16, #tpu.memory_space<vmem>>, vector<1024x512xbf16>
    tpu.vector_store %arg5[%swap3A_55, %swap3A_56], %convert_element_type3A_54 {strides = array<i32>} : memref<1024x512xbf16, #tpu.memory_space<vmem>>, vector<1024x512xbf16>,
    return
  }
  func.func @transform_0(%arg0: i32) -> (i32, i32, i32) {
    %c0_i32 = arith.constant 0 : i32
    %c0_i32_0 = arith.constant 0 : i32
    %c0_i32_1 = arith.constant 0 : i32
    return %arg0, %c0_i32, %c0_i32_0 : i32, i32, i32
  }
  func.func @transform_1(%arg0: i32) -> (i32, i32) {
    %c0_i32 = arith.constant 0 : i32
    %c0_i32_0 = arith.constant 0 : i32
    %c0_i32_1 = arith.constant 0 : i32
    return %c0_i32, %c0_i32_0 : i32, i32
  }
  func.func @transform_2(%arg0: i32) -> (i32, i32) {
    %c0_i32 = arith.constant 0 : i32
    %c0_i32_0 = arith.constant 0 : i32
    %c0_i32_1 = arith.constant 0 : i32
    return %c0_i32, %c0_i32_0 : i32, i32
  }
  func.func @transform_3(%arg0: i32) -> (i32, i32) {
    %c0_i32 = arith.constant 0 : i32
    %c0_i32_0 = arith.constant 0 : i32
    %c0_i32_1 = arith.constant 0 : i32
    return %c0_i32, %c0_i32_0 : i32, i32
  }
  func.func @transform_4(%arg0: i32) -> (i32, i32) {
    %c0_i32 = arith.constant 0 : i32
    %c0_i32_0 = arith.constant 0 : i32
    %c0_i32_1 = arith.constant 0 : i32
    return %c0_i32, %c0_i32_0 : i32, i32
  }
  func.func @transform_5(%arg0: i32) -> (i32, i32) {
    %c0_i32 = arith.constant 0 : i32
    %c0_i32_0 = arith.constant 0 : i32
    %c0_i32_1 = arith.constant 0 : i32
    return %c0_i32, %c0_i32_0 : i32, i32
  }
}

module attributes {stable_mosaic.version = 14 : i64} {
  func.func @_mlp_body(%arg0: memref<1024x512xbf16, #tpu.memory_space<vmem>>, %arg1: memref<512x2048xbf16, #tpu.memory_space<vmem>>, %arg2: memref<1x2048xf32, #tpu.memory_space<vmem>>, %arg3: memref<2048x128xbf16, #tpu.memory_space<vmem>>, %arg4: memref<1x128xf32, #tpu.memory_space<vmem>>, %arg5: memref<1024x128xf32, #tpu.memory_space<vmem>>) attributes {dimension_semantics = [], scalar_prefetch = 0 : i64, scratch_operands = 0 : i64, tpu.core_type = #tpu.core_type<tc>} {
    %get3A = arith.constant 0 : index
    %get3A_0 = arith.constant 0 : index
    %get3A_1 = vector.load %arg0[%get3A, %get3A_0] : memref<1024x512xbf16, #tpu.memory_space<vmem>>, vector<1024x512xbf16>
    %get3A_2 = arith.constant 0 : index
    %get3A_3 = arith.constant 0 : index
    %get3A_4 = vector.load %arg1[%get3A_2, %get3A_3] : memref<512x2048xbf16, #tpu.memory_space<vmem>>, vector<512x2048xbf16>
    %dot_general3A = arith.constant dense<0.000000e+00> : vector<1024x2048xf32>
    %dot_general3A_5 = tpu.matmul %get3A_1, %get3A_4, %dot_general3A {dimension_numbers = #tpu.dot_dimension_numbers<[1], [0], [0], [1], [0, 0, 1, 1], [], []>, transpose_lhs_hint = false} : vector<1024x512xbf16>, vector<512x2048xbf16>, vector<1024x2048xf32> -> vector<1024x2048xf32>
    %get3A_6 = arith.constant 0 : index
    %get3A_7 = arith.constant 0 : index
    %get3A_8 = vector.load %arg2[%get3A_6, %get3A_7] : memref<1x2048xf32, #tpu.memory_space<vmem>>, vector<1x2048xf32>
    %add3A = vector.broadcast %get3A_8 : vector<1x2048xf32> to vector<1024x2048xf32>
    %add3A_9 = arith.addf %dot_general3A_5, %add3A : vector<1024x2048xf32>
    %max3A = arith.constant 0.000000e+00 : f32
    %max3A_10 = vector.broadcast %max3A : f32 to vector<1024x2048xf32>
    %max3A_11 = arith.maximumf %add3A_9, %max3A_10 : vector<1024x2048xf32>
    %convert_element_type3A = arith.truncf %max3A_11 : vector<1024x2048xf32> to vector<1024x2048xbf16>
    %get3A_12 = arith.constant 0 : index
    %get3A_13 = arith.constant 0 : index
    %get3A_14 = vector.load %arg3[%get3A_12, %get3A_13] : memref<2048x128xbf16, #tpu.memory_space<vmem>>, vector<2048x128xbf16>
    %dot_general3A_15 = arith.constant dense<0.000000e+00> : vector<1024x128xf32>
    %dot_general3A_16 = tpu.matmul %convert_element_type3A, %get3A_14, %dot_general3A_15 {dimension_numbers = #tpu.dot_dimension_numbers<[1], [0], [0], [1], [0, 0, 1, 1], [], []>, transpose_lhs_hint = false} : vector<1024x2048xbf16>, vector<2048x128xbf16>, vector<1024x128xf32> -> vector<1024x128xf32>
    %get3A_17 = arith.constant 0 : index
    %get3A_18 = arith.constant 0 : index
    %get3A_19 = vector.load %arg4[%get3A_17, %get3A_18] : memref<1x128xf32, #tpu.memory_space<vmem>>, vector<1x128xf32>
    %add3A_20 = vector.broadcast %get3A_19 : vector<1x128xf32> to vector<1024x128xf32>
    %add3A_21 = arith.addf %dot_general3A_16, %add3A_20 : vector<1024x128xf32>
    %swap3A = arith.constant 0 : index
    %swap3A_22 = arith.constant 0 : index
    %swap3A_23 = vector.load %arg5[%swap3A, %swap3A_22] : memref<1024x128xf32, #tpu.memory_space<vmem>>, vector<1024x128xf32>
    tpu.vector_store %arg5[%swap3A, %swap3A_22], %add3A_21 {strides = array<i32>} : memref<1024x128xf32, #tpu.memory_space<vmem>>, vector<1024x128xf32>,
    return
  }
}

module attributes {stable_mosaic.version = 14 : i64} {
  func.func @_lstm_body(%arg0: i32, %arg1: memref<1x1024x1024xi32, #tpu.memory_space<vmem>>, %arg2: memref<512x2048xbf16, #tpu.memory_space<vmem>>, %arg3: memref<1024x512xbf16, #tpu.memory_space<vmem>>, %arg4: memref<1024x512xf32, #tpu.memory_space<vmem>>, %arg5: memref<1024x512xbf16, #tpu.memory_space<vmem>>, %arg6: memref<1024x512xf32, #tpu.memory_space<vmem>>) attributes {dimension_semantics = [#tpu.dimension_semantics<arbitrary>], iteration_bounds = array<i64: 10>, scalar_prefetch = 0 : i64, scratch_operands = 0 : i64, tpu.core_type = #tpu.core_type<tc>, window_params = [{transform_indices = @transform_0, window_bounds = array<i64: 1, 1024, 1024>}, {pipeline_mode = #tpu.pipeline_mode<synchronous>, transform_indices = @transform_1, window_bounds = array<i64: 512, 2048>}, {pipeline_mode = #tpu.pipeline_mode<synchronous>, transform_indices = @transform_2, window_bounds = array<i64: 1024, 512>}, {pipeline_mode = #tpu.pipeline_mode<synchronous>, transform_indices = @transform_3, window_bounds = array<i64: 1024, 512>}, {pipeline_mode = #tpu.pipeline_mode<synchronous>, transform_indices = @transform_4, window_bounds = array<i64: 1024, 512>}, {pipeline_mode = #tpu.pipeline_mode<synchronous>, transform_indices = @transform_5, window_bounds = array<i64: 1024, 512>}]} {
    %eq3A = arith.constant 0 : i32
    %eq3A_0 = arith.cmpi eq, %arg0, %eq3A : i32
    %convert_element_type3A = arith.extui %eq3A_0 : i1 to i32
    %cond3A = arith.constant 0 : i32
    %cond3A_1 = arith.cmpi ne, %convert_element_type3A, %cond3A : i32
    scf.if %cond3A_1 {
      %get3A_58 = arith.constant 0 : index
      %get3A_59 = arith.constant 0 : index
      %get3A_60 = vector.load %arg3[%get3A_58, %get3A_59] : memref<1024x512xbf16, #tpu.memory_space<vmem>>, vector<1024x512xbf16>
      %swap3A_61 = arith.constant 0 : index
      %swap3A_62 = arith.constant 0 : index
      %swap3A_63 = vector.load %arg5[%swap3A_61, %swap3A_62] : memref<1024x512xbf16, #tpu.memory_space<vmem>>, vector<1024x512xbf16>
      tpu.vector_store %arg5[%swap3A_61, %swap3A_62], %get3A_60 {strides = array<i32>} : memref<1024x512xbf16, #tpu.memory_space<vmem>>, vector<1024x512xbf16>,
      %get3A_64 = arith.constant 0 : index
      %get3A_65 = arith.constant 0 : index
      %get3A_66 = vector.load %arg4[%get3A_64, %get3A_65] : memref<1024x512xf32, #tpu.memory_space<vmem>>, vector<1024x512xf32>
      %swap3A_67 = arith.constant 0 : index
      %swap3A_68 = arith.constant 0 : index
      %swap3A_69 = vector.load %arg6[%swap3A_67, %swap3A_68] : memref<1024x512xf32, #tpu.memory_space<vmem>>, vector<1024x512xf32>
      tpu.vector_store %arg6[%swap3A_67, %swap3A_68], %get3A_66 {strides = array<i32>} : memref<1024x512xf32, #tpu.memory_space<vmem>>, vector<1024x512xf32>,
    } else {
    }
    %get3A = arith.constant 0 : index
    %get3A_2 = arith.constant 0 : index
    %get3A_3 = arith.constant 0 : index
    %get3A_4 = vector.load %arg1[%get3A, %get3A_2, %get3A_3] : memref<1x1024x1024xi32, #tpu.memory_space<vmem>>, vector<1x1024x1024xi32>
    %get3A_5 = vector.shape_cast %get3A_4 : vector<1x1024x1024xi32> to vector<1024x1024xi32>
    %shift_left3A = arith.constant 16 : i32
    %shift_left3A_6 = vector.broadcast %shift_left3A : i32 to vector<1024x1024xi32>
    %shift_left3A_7 = arith.shli %get3A_5, %shift_left3A_6 : vector<1024x1024xi32>
    %bitcast_convert_type3A = tpu.bitcast %shift_left3A_7 : vector<1024x1024xi32> -> vector<1024x1024xf32>
    %and3A = arith.constant -65536 : i32
    %and3A_8 = vector.broadcast %and3A : i32 to vector<1024x1024xi32>
    %and3A_9 = arith.andi %get3A_5, %and3A_8 : vector<1024x1024xi32>
    %bitcast_convert_type3A_10 = tpu.bitcast %and3A_9 : vector<1024x1024xi32> -> vector<1024x1024xf32>
    %get3A_11 = arith.constant 0 : index
    %get3A_12 = arith.constant 0 : index
    %get3A_13 = vector.load %arg5[%get3A_11, %get3A_12] : memref<1024x512xbf16, #tpu.memory_space<vmem>>, vector<1024x512xbf16>
    %get3A_14 = arith.constant 0 : index
    %get3A_15 = arith.constant 0 : index
    %get3A_16 = vector.load %arg2[%get3A_14, %get3A_15] : memref<512x2048xbf16, #tpu.memory_space<vmem>>, vector<512x2048xbf16>
    %dot_general3A = arith.constant dense<0.000000e+00> : vector<1024x2048xf32>
    %dot_general3A_17 = tpu.matmul %get3A_13, %get3A_16, %dot_general3A {dimension_numbers = #tpu.dot_dimension_numbers<[1], [0], [0], [1], [0, 0, 1, 1], [], []>, transpose_lhs_hint = false} : vector<1024x512xbf16>, vector<512x2048xbf16>, vector<1024x2048xf32> -> vector<1024x2048xf32>
    %slice3A = vector.extract_strided_slice %bitcast_convert_type3A {offsets = [0, 0], sizes = [1024, 512], strides = [1, 1]} : vector<1024x1024xf32> to vector<1024x512xf32>
    %slice3A_18 = vector.extract_strided_slice %dot_general3A_17 {offsets = [0, 0], sizes = [1024, 512], strides = [1, 1]} : vector<1024x2048xf32> to vector<1024x512xf32>
    %add3A = arith.addf %slice3A, %slice3A_18 : vector<1024x512xf32>
    %logistic3A = arith.negf %add3A : vector<1024x512xf32>
    %logistic3A_19 = math.exp %logistic3A : vector<1024x512xf32>
    %logistic3A_20 = arith.constant 1.000000e+00 : f32
    %logistic3A_21 = vector.broadcast %logistic3A_20 : f32 to vector<1024x512xf32>
    %logistic3A_22 = arith.addf %logistic3A_21, %logistic3A_19 : vector<1024x512xf32>
    %logistic3A_23 = arith.divf %logistic3A_21, %logistic3A_22 : vector<1024x512xf32>
    %slice3A_24 = vector.extract_strided_slice %bitcast_convert_type3A {offsets = [0, 512], sizes = [1024, 512], strides = [1, 1]} : vector<1024x1024xf32> to vector<1024x512xf32>
    %slice3A_25 = vector.extract_strided_slice %dot_general3A_17 {offsets = [0, 512], sizes = [1024, 512], strides = [1, 1]} : vector<1024x2048xf32> to vector<1024x512xf32>
    %add3A_26 = arith.addf %slice3A_24, %slice3A_25 : vector<1024x512xf32>
    %logistic3A_27 = arith.negf %add3A_26 : vector<1024x512xf32>
    %logistic3A_28 = math.exp %logistic3A_27 : vector<1024x512xf32>
    %logistic3A_29 = arith.constant 1.000000e+00 : f32
    %logistic3A_30 = vector.broadcast %logistic3A_29 : f32 to vector<1024x512xf32>
    %logistic3A_31 = arith.addf %logistic3A_30, %logistic3A_28 : vector<1024x512xf32>
    %logistic3A_32 = arith.divf %logistic3A_30, %logistic3A_31 : vector<1024x512xf32>
    %slice3A_33 = vector.extract_strided_slice %bitcast_convert_type3A_10 {offsets = [0, 0], sizes = [1024, 512], strides = [1, 1]} : vector<1024x1024xf32> to vector<1024x512xf32>
    %slice3A_34 = vector.extract_strided_slice %dot_general3A_17 {offsets = [0, 1024], sizes = [1024, 512], strides = [1, 1]} : vector<1024x2048xf32> to vector<1024x512xf32>
    %add3A_35 = arith.addf %slice3A_33, %slice3A_34 : vector<1024x512xf32>
    %tanh3A = math.tanh %add3A_35 : vector<1024x512xf32>
    %slice3A_36 = vector.extract_strided_slice %bitcast_convert_type3A_10 {offsets = [0, 512], sizes = [1024, 512], strides = [1, 1]} : vector<1024x1024xf32> to vector<1024x512xf32>
    %slice3A_37 = vector.extract_strided_slice %dot_general3A_17 {offsets = [0, 1536], sizes = [1024, 512], strides = [1, 1]} : vector<1024x2048xf32> to vector<1024x512xf32>
    %add3A_38 = arith.addf %slice3A_36, %slice3A_37 : vector<1024x512xf32>
    %logistic3A_39 = arith.negf %add3A_38 : vector<1024x512xf32>
    %logistic3A_40 = math.exp %logistic3A_39 : vector<1024x512xf32>
    %logistic3A_41 = arith.constant 1.000000e+00 : f32
    %logistic3A_42 = vector.broadcast %logistic3A_41 : f32 to vector<1024x512xf32>
    %logistic3A_43 = arith.addf %logistic3A_42, %logistic3A_40 : vector<1024x512xf32>
    %logistic3A_44 = arith.divf %logistic3A_42, %logistic3A_43 : vector<1024x512xf32>
    %get3A_45 = arith.constant 0 : index
    %get3A_46 = arith.constant 0 : index
    %get3A_47 = vector.load %arg6[%get3A_45, %get3A_46] : memref<1024x512xf32, #tpu.memory_space<vmem>>, vector<1024x512xf32>
    %mul3A = arith.mulf %logistic3A_32, %get3A_47 : vector<1024x512xf32>
    %mul3A_48 = arith.mulf %logistic3A_23, %tanh3A : vector<1024x512xf32>
    %add3A_49 = arith.addf %mul3A, %mul3A_48 : vector<1024x512xf32>
    %tanh3A_50 = math.tanh %add3A_49 : vector<1024x512xf32>
    %mul3A_51 = arith.mulf %logistic3A_44, %tanh3A_50 : vector<1024x512xf32>
    %swap3A = arith.constant 0 : index
    %swap3A_52 = arith.constant 0 : index
    %swap3A_53 = vector.load %arg6[%swap3A, %swap3A_52] : memref<1024x512xf32, #tpu.memory_space<vmem>>, vector<1024x512xf32>
    tpu.vector_store %arg6[%swap3A, %swap3A_52], %add3A_49 {strides = array<i32>} : memref<1024x512xf32, #tpu.memory_space<vmem>>, vector<1024x512xf32>,
    %convert_element_type3A_54 = arith.truncf %mul3A_51 : vector<1024x512xf32> to vector<1024x512xbf16>
    %swap3A_55 = arith.constant 0 : index
    %swap3A_56 = arith.constant 0 : index
    %swap3A_57 = vector.load %arg5[%swap3A_55, %swap3A_56] : memref<1024x512xbf16, #tpu.memory_space<vmem>>, vector<1024x512xbf16>
    tpu.vector_store %arg5[%swap3A_55, %swap3A_56], %convert_element_type3A_54 {strides = array<i32>} : memref<1024x512xbf16, #tpu.memory_space<vmem>>, vector<1024x512xbf16>,
    return
  }
  func.func @transform_0(%arg0: i32) -> (i32, i32, i32) {
    %c0_i32 = arith.constant 0 : i32
    %c0_i32_0 = arith.constant 0 : i32
    %c0_i32_1 = arith.constant 0 : i32
    return %arg0, %c0_i32, %c0_i32_0 : i32, i32, i32
  }
  func.func @transform_1(%arg0: i32) -> (i32, i32) {
    %c0_i32 = arith.constant 0 : i32
    %c0_i32_0 = arith.constant 0 : i32
    %c0_i32_1 = arith.constant 0 : i32
    return %c0_i32, %c0_i32_0 : i32, i32
  }
  func.func @transform_2(%arg0: i32) -> (i32, i32) {
    %c0_i32 = arith.constant 0 : i32
    %c0_i32_0 = arith.constant 0 : i32
    %c0_i32_1 = arith.constant 0 : i32
    return %c0_i32, %c0_i32_0 : i32, i32
  }
  func.func @transform_3(%arg0: i32) -> (i32, i32) {
    %c0_i32 = arith.constant 0 : i32
    %c0_i32_0 = arith.constant 0 : i32
    %c0_i32_1 = arith.constant 0 : i32
    return %c0_i32, %c0_i32_0 : i32, i32
  }
  func.func @transform_4(%arg0: i32) -> (i32, i32) {
    %c0_i32 = arith.constant 0 : i32
    %c0_i32_0 = arith.constant 0 : i32
    %c0_i32_1 = arith.constant 0 : i32
    return %c0_i32, %c0_i32_0 : i32, i32
  }
  func.func @transform_5(%arg0: i32) -> (i32, i32) {
    %c0_i32 = arith.constant 0 : i32
    %c0_i32_0 = arith.constant 0 : i32
    %c0_i32_1 = arith.constant 0 : i32
    return %c0_i32, %c0_i32_0 : i32, i32
  }
}

</mosaic_0001>

<sc_bundles>
// kernel: kernel.14.cloned.1.call-start
scs
__scs_entry_jumppad:
0x0: {  	(pc) =	sbr.rel $0x88, $3  }
0x1: {  	(tag) =	ssettag $0x0;
	lr =	simm.s32 $0x1  }
0x2: {  	[smem:$0x3F97] =	sst lr;
	_ =	strace $0xD0000000  }
0x3: {  	_ = 	snop  }
0x4: {  	_ = 	snop  }
0x5: {  	_ = 	snop  }
0x6: {  	_ = 	snop  }
0x7: {  	_ = 	snop  }
__scs_overlays_trampoline_lowered:
0x8: {  	[smem:$0x3FA6] =	sst s0  }
0x9: {  	[smem:$0x3FA7] =	sst s1  }
0xa: {  	[smem:$0x3FA8] =	sst s2  }
0xb: {  	[smem:$0x3FA9] =	sst s3  }
0xc: {  	[smem:$0x3FAA] =	sst s4  }
0xd: {  	[smem:$0x3FAB] =	sst s5  }
0xe: {  	[smem:$0x3FAC] =	sst s6  }
0xf: {  	[smem:$0x3FAD] =	sst s7  }
0x10: {  	[smem:$0x3FAE] =	sst s8  }
0x11: {  	[smem:$0x3FAF] =	sst s9;
	s0 =	simm.s32 @!p0 $0x0  }
0x12: {  	s1 =	sld [smem:$0x3F95];
	s0 =	simm.s32 @p0 $0x1  }
0x13: {  	[smem:$0x3FB0] =	sst s0;
	s0 =	simm.s32 @!p1 $0x0  }
0x14: {  	s2 =	sld [smem:$0x3F94];
	s0 =	simm.s32 @p1 $0x1  }
0x15: {  	[smem:$0x3FB1] =	sst s0;
	s0 =	simm.s32 @!p2 $0x0  }
0x16: {  	s3 =	sld [smem:$0x3FDB];
	s0 =	simm.s32 @p2 $0x1  }
0x17: {  	s4 =	simm.s32 $0x1BF5;
	[smem:$0x3FB3] =	sst s0  }
0x18: {  	s0 =	sld [smem:$0x3F96];
	_ =	swait.ge [sflag:s4], $0x0  }
0x19: {  	s7 =	sld [smem:$0x3F97]  }
0x1a: {  	s8 =	sadd.s32 $0xFFFFE003, lr  }
0x1b: {  	s9 =	sadd.s32 $0xFFFFFEF7, lr;
	s5 =	simm.s32 $0xFFFFFFFF;
	p2 =	slt.u32 s8, $0xFFFFF086  }
0x1c: {  	p1 =	slt.u32 s9, $0xF7A;
	s5 =	simm.s32 @!p2 $0x0  }
0x1d: {  	s5 =	simm.s32 @p1 $0x1;
	p0 =	seq.s32 s7, s2  }
0x1e: {  	s7 =	smul.u32 @!p0 $0xF7A, s2;
	p2 =	seq.s32 @!p0 s5, $0x0  }
0x1f: {  	s9 =	smul.u32 $0xF7A, s1;
	s8 =	simm.s32 @!p0 $0x1BF5;
	p2 =	por !p2, p0  }
0x20: {  	[sflag:s8] =	ssyncset.s32 @!p0 $0xFFFFF086;
	s6 =	sadd.s32 @!p0 s3, s7;
	s7 =	simm.s32 @!p0 $0x108  }
0x21: {  	s3 =	sadd.s32 s3, s9;
	s6 =	sadd.s32 @!p0 $0x88, s6;
	s7 =	simm.s32 @p2 $0x1082  }
0x22: {  	[simem:s7], [sflag:s8] =	dma.local @!p0 [hbm:s6], $0xF7A  }
0x23: {  	s9 =	sor.u32 $0xD0000000, s2;
	s6 =	simm.s32 $0x108;
	_ =	swait.ge @!p0 [sflag:s8], $0x0  }
0x24: {  	s3 =	sadd.s32 $0x88, s3;
	s6 =	simm.s32 @!p1 $0x1082;
	[sflag:s4] =	ssyncset.s32 $0xFFFFF086  }
0x25: {  	[simem:s6], [sflag:s4] =	dma.local [hbm:s3], $0xF7A  }
0x26: {  	[smem:$0x3F97] =	sst s1;
	(tag) =	ssettag s2;
	_ =	strace s9  }
0x27: {  	s1 =	sld [smem:$0x3FA7]  }
0x28: {  	s2 =	sld [smem:$0x3FA8]  }
0x29: {  	s4 =	sld [smem:$0x3FAA]  }
0x2a: {  	p0 =	seq.s32 s5, $0x0;
	s5 =	sld [smem:$0x3FAB]  }
0x2b: {  	s6 =	sld [smem:$0x3FAC]  }
0x2c: {  	s7 =	sld [smem:$0x3FAD]  }
0x2d: {  	s3 =	simm.s32 $0x108;
	s8 =	sld [smem:$0x3FAE]  }
0x2e: {  	s3 =	simm.s32 @!p0 $0x1082;
	s9 =	sld [smem:$0x3FAF]  }
0x2f: {  	lr =	sadd.s32 s0, s3;
	s0 =	sld [smem:$0x3FA6]  }
0x30: {  	s3 =	sld [smem:$0x3FA9]  }
0x31: {  	[smem:$0x3FB2] =	sst s10  }
0x32: {  	s10 =	sld [smem:$0x3FB0];
	_ =	sdelay $0x3  }
0x33: {  	p0 =	seq.s32 s10, $0x1;
	s10 =	sld [smem:$0x3FB2];
	_ =	sdelay $0x3  }
0x34: {  	[smem:$0x3FB2] =	sst s10  }
0x35: {  	s10 =	sld [smem:$0x3FB1];
	_ =	sdelay $0x3  }
0x36: {  	p1 =	seq.s32 s10, $0x1;
	s10 =	sld [smem:$0x3FB2];
	_ =	sdelay $0x3  }
0x37: {  	[smem:$0x3FB2] =	sst s10  }
0x38: {  	s10 =	sld [smem:$0x3FB3]  }
0x39: {  	_ = 	snop;
	(pc) =	sbr.ind lr, $3  }
0x3a: {  	_ = 	snop  }
0x3b: {  	_ = 	snop  }
0x3c: {  	p2 =	seq.s32 s10, $0x1;
	s10 =	sld [smem:$0x3FB2]  }
0x3d: {  	_ =	shalt  }
0x3e: {  	_ =	shalt  }
0x3f: {  	_ =	shalt  }
0x40: {  	_ =	shalt  }
0x41: {  	_ =	shalt  }
0x42: {  	_ =	shalt  }
0x43: {  	_ =	shalt  }
0x44: {  	_ =	shalt  }
0x45: {  	_ =	shalt  }
0x46: {  	_ =	shalt  }
0x47: {  	_ =	shalt  }
0x48: {  	_ =	shalt  }
0x49: {  	_ =	shalt  }
0x4a: {  	_ =	shalt  }
0x4b: {  	_ =	shalt  }
0x4c: {  	_ =	shalt  }
0x4d: {  	_ =	shalt  }
0x4e: {  	_ =	shalt  }
0x4f: {  	_ =	shalt  }
0x50: {  	_ =	shalt  }
0x51: {  	_ =	shalt  }
0x52: {  	_ =	shalt  }
0x53: {  	_ =	shalt  }
0x54: {  	_ =	shalt  }
0x55: {  	_ =	shalt  }
0x56: {  	_ =	shalt  }
0x57: {  	_ =	shalt  }
0x58: {  	_ =	shalt  }
0x59: {  	_ =	shalt  }
0x5a: {  	_ =	shalt  }
0x5b: {  	_ =	shalt  }
0x5c: {  	_ =	shalt  }
0x5d: {  	_ =	shalt  }
0x5e: {  	_ =	shalt  }
0x5f: {  	_ =	shalt  }
0x60: {  	_ =	shalt  }
0x61: {  	_ =	shalt  }
0x62: {  	_ =	shalt  }
0x63: {  	_ =	shalt  }
0x64: {  	_ =	shalt  }
0x65: {  	_ =	shalt  }
0x66: {  	_ =	shalt  }
0x67: {  	_ =	shalt  }
0x68: {  	_ =	shalt  }
0x69: {  	_ =	shalt  }
0x6a: {  	_ =	shalt  }
0x6b: {  	_ =	shalt  }
0x6c: {  	_ =	shalt  }
0x6d: {  	_ =	shalt  }
0x6e: {  	_ =	shalt  }
0x6f: {  	_ =	shalt  }
0x70: {  	_ =	shalt  }
0x71: {  	_ =	shalt  }
0x72: {  	_ =	shalt  }
0x73: {  	_ =	shalt  }
0x74: {  	_ =	shalt  }
0x75: {  	_ =	shalt  }
0x76: {  	_ =	shalt  }
0x77: {  	_ =	shalt  }
0x78: {  	_ =	shalt  }
0x79: {  	_ =	shalt  }
0x7a: {  	_ =	shalt  }
0x7b: {  	_ =	shalt  }
0x7c: {  	_ =	shalt  }
0x7d: {  	_ =	shalt  }
0x7e: {  	_ =	shalt  }
0x7f: {  	_ =	shalt  }
0x80: {  	_ =	shalt  }
0x81: {  	_ =	shalt  }
0x82: {  	_ =	shalt  }
0x83: {  	_ =	shalt  }
0x84: {  	_ =	shalt  }
0x85: {  	_ =	shalt  }
0x86: {  	_ =	shalt  }
0x87: {  	_ =	shalt  }
.Lfunc_end0:
.L_simem_size_0:
called_computation_lowered:
.L_overlay_start_0:
0x88: {  	s2 =	sld [smem:$0x3FD9]  }
0x89: {  	s3 =	sld [smem:$0x3FFE];
	_ =	sdelay $0x1  }
0x8a: {  	s1 =	srdreg.scid  }
0x8b: {  	s0 =	sand.u32 $0x1, s1  }
0x8c: {  	s16 =	sshll.u32 s0, $0xA;
	s2 =	sadd.s32 s3, s2  }
0x8d: {  	s2 =	sadd.s32 s2, s16  }
0x8e: {  	[smem:$0x3FBE] =	sst s2  }
0x8f: {  	_ = 	snop  }
0x90: {  	(tm) =	ssettm $0x1  }
0x91: {  	s17 =	sld [smem:$0x3FFB];
	_ =	sdelay $0x3  }
0x92: {  	_ =	strace s17  }
0x93: {  	s2 =	sld [smem:$0x3FFC];
	_ =	sdelay $0x3  }
0x94: {  	_ =	strace s2  }
0x95: {  	s2 =	sld [smem:$0x3FFD];
	_ =	sdelay $0x3  }
0x96: {  	_ =	strace s2  }
0x97: {  	_ =	strace $0x8FFFFFFF  }
0x98: {  	s18 =	sld [smem:$0x3FDB];
	_ =	sdelay $0x1  }
0x99: {  	s19 =	simm.s32 $_scs_section_size  }
0x9a: {  	s4 =	simm.s32 $_size__tile_overlayer_lowered;
	s5 =	simm.s32 $_tile_overlayer_lowered  }
0x9b: {  	s22 =	simm.s32 $0x1BFF;
	s21 =	sshll.u32 s5, $0x1;
	s2 =	sadd.s32 s19, s18  }
0x9c: {  	s6 =	simm.s32 $0x0;
	s20 =	sshll.u32 s4, $0x1;
	s4 =	sadd.s32 s21, s2  }
0x9d: {  	[timem:s6], [sflag:s22] =	dma.local [hbm:s4], s20  }
0x9e: {  	_ =	swait.ge [sflag:s22], s20  }
0x9f: {  	s3 =	ssub.s32 $0x0, s20;
	[sflag:s22] =	ssyncset.done $0x0  }
0xa0: {  	[sflag:s22] =	ssyncadd.s32 s3;
	_ =	sdelay $0x1  }
0xa1: {  	s23 =	simm.s32 $0x1B8B  }
0xa2: {  	_ =	swait.ge [sflag:s23], $0x1  }
0xa3: {  	[sflag:s23] =	ssyncset.done $0x0  }
0xa4: {  	s25 =	simm.s32 $0x1B8E;
	s24 =	sld [smem:$0x3FFE];
	[sflag:s23] =	ssyncadd.s32 $0xFFFFFFFF  }
0xa5: {  	s26 =	simm.s32 $execute0_lowered;
	[smem:$0x3FD2] =	sst s25  }
0xa6: {  	s4 =	sshll.u32 s26, $0x1;
	_ =	strace $0x80000046;
	[dreg:$0x1] =	wrdreg $0xFFFFFFFF  }
0xa7: {  	s28 =	simm.s32 $_size_execute0_lowered;
	s2 =	sadd.s32 s2, s4;
	[dreg:$0x0] =	wrdreg $0x0  }
0xa8: {  	s4 =	sshll.u32 s28, $0x1;
	[dreg:$0x2] =	wrdreg s2  }
0xa9: {  	[dreg:$0x3] =	wrdreg s4  }
0xaa: {  	[dreg:$0x4] =	wrdreg $0xC0  }
0xab: {  	_ =	task [dreg:s6], $0x5FFFF  }
0xac: {  	[dreg:$0x1] =	wrdreg $0xFFFFFFFF  }
0xad: {  	[dreg:$0x0] =	wrdreg $0x60  }
0xae: {  	[dreg:$0x2] =	wrdreg s24  }
0xaf: {  	[dreg:$0x3] =	wrdreg $0x9  }
0xb0: {  	_ =	task.clear_ibuf [dreg:s6], $0x4FFFF;
	_ =	strace $0x90000046  }
0xb1: {  	s29 =	simm.s32 $0x9;
	_ =	strace $0x80000048  }
0xb2: {  	_ =	swait.ge [sflag:s29], $0x1  }
0xb3: {  	[sflag:s29] =	ssyncadd.s32 $0xFFFFFFFF  }
0xb4: {  	_ =	strace $0x90000048  }
0xb5: {  	_ =	sfence  }
0xb6: {  	s30 =	sld [smem:$0x0];
	_ =	sdelay $0x2  }
0xb7: {  	s31 =	sshll.u32 s1, $0xD;
	s1 =	sshrl.u32 s1, $0x2  }
0xb8: {  	s3 =	sand.u32 $0x4000, s31;
	s1 =	sadd.s32 s1, s30  }
0xb9: {  	s0 =	sor.u32 s3, s0;
	s1 =	sshll.u32 s1, $0x11  }
0xba: {  	s0 =	sor.u32 s1, s0  }
0xbb: {  	s0 =	sadd.s32 $0x8F2B, s0  }
0xbc: {  	[sflag:s0] =	ssyncadd.remote.s32 $0x1  }
0xbd: {  	_ =	sfence.sel $0xFFFF  }
0xbe: {  	[dreg:$0x0] =	wrdreg $0xFFFFFFFF;
	(pc) =	sbr.abs _section_cstart, $3  }
0xbf: {  	[dreg:$0x1] =	wrdreg $0xFFFFFFFF  }
0xc0: {  	_ =	task.clear_ibuf [dreg:s6], $0x2FFFF;
	_ =	strace $0x9FFFFFFF  }
0xc1: {  	(tm) =	ssettm $0x7FFFFFFF  }
tec
execute0_lowered:
.L_overlay_start_1:
0x0: {  	(tag) =	ssettag $0x1  }
0x1: {  	s7 =	rddreg [dreg:$0x0];
	s2 =	simm.s32 $0x0  }
0x2: {  	s26 =	simm.s32 $0x980;
	[smem:$0x7FF] =	sst s2  }
0x3: {  	s5 =	simm.s32 $0x1980;
	_ =	strace $0x80000047;
	[dreg:$0x3] =	wrdreg s26  }
0x4: {  	s6 =	simm.s32 $0x2180;
	[dreg:$0x5] =	wrdreg s5  }
0x5: {  	s8 =	simm.s32 $0x2980;
	[dreg:$0x6] =	wrdreg s6  }
0x6: {  	s10 =	simm.s32 $0x3180;
	[dreg:$0x7] =	wrdreg s8  }
0x7: {  	s11 =	simm.s32 $0x3980;
	[dreg:$0x8] =	wrdreg s10  }
0x8: {  	s13 =	simm.s32 $0x4180;
	[dreg:$0x9] =	wrdreg s11  }
0x9: {  	s14 =	simm.s32 $0x4980;
	[dreg:$0xa] =	wrdreg s13  }
0xa: {  	s15 =	simm.s32 $0x5180;
	[dreg:$0xb] =	wrdreg s14  }
0xb: {  	s0 =	srdreg.scid;
	s16 =	simm.s32 $0x5980;
	[dreg:$0xc] =	wrdreg s15  }
0xc: {  	s4 =	stileid.u32;
	s17 =	simm.s32 $0x6180;
	[dreg:$0xd] =	wrdreg s16  }
0xd: {  	s18 =	simm.s32 $0x6980;
	s19 =	simm.s32 $0x7180;
	[dreg:$0xe] =	wrdreg s17  }
0xe: {  	s20 =	simm.s32 $0x7980;
	s21 =	simm.s32 $0x8180;
	[dreg:$0xf] =	wrdreg s18  }
0xf: {  	s22 =	simm.s32 $0x8980;
	s23 =	simm.s32 $0x9180;
	[dreg:$0x10] =	wrdreg s19  }
0x10: {  	s24 =	simm.s32 $0x9980;
	s25 =	simm.s32 $0xA180;
	[dreg:$0x11] =	wrdreg s20  }
0x11: {  	s28 =	simm.s32 $0x13180;
	s29 =	simm.s32 $0x13980;
	[dreg:$0x12] =	wrdreg s21  }
0x12: {  	s30 =	simm.s32 $0x1;
	s31 =	simm.s32 $0x0;
	[dreg:$0x13] =	wrdreg s22  }
0x13: {  	s0 =	sand.u32 $0x1, s0;
	s1 =	smul.u32 $0x14000, s4;
	[dreg:$0x14] =	wrdreg s23  }
0x14: {  	s9 =	sshll.u32 s4, $0x1;
	s3 =	smul.u32 $0xA000, s0;
	[dreg:$0x15] =	wrdreg s24  }
0x15: {  	s6 =	sadd.s32 $0x5000, s7;
	s10 =	simm.s32 $0x180;
	[dreg:$0x16] =	wrdreg s25  }
0x16: {  	s26 =	simm.s32 $0xA980;
	s11 =	simm.s32 $0xB180;
	s13 =	simm.s32 $0xC180  }
0x17: {  	s14 =	simm.s32 $0xC980;
	s15 =	simm.s32 $0xD180;
	s16 =	simm.s32 $0xD980  }
0x18: {  	s17 =	simm.s32 $0xE180;
	s18 =	simm.s32 $0xE980;
	s19 =	simm.s32 $0xF180  }
0x19: {  	s20 =	simm.s32 $0xF980;
	s21 =	simm.s32 $0x10180;
	s22 =	simm.s32 $0x10980  }
0x1a: {  	s23 =	simm.s32 $0x11180;
	s24 =	simm.s32 $0x11980;
	s1 =	sadd.s32 s1, s7  }
0x1b: {  	[dreg:$0x17] =	wrdreg s26;
	s1 =	sadd.s32 s3, s1;
	s3 =	simm.s32 $0x1180  }
0x1c: {  	s25 =	simm.s32 $0x12180;
	[dreg:$0x4] =	wrdreg s3;
	s3 =	sor.u32 s0, s9  }
0x1d: {  	s26 =	simm.s32 $0x12980;
	s0 =	ssub.s32 $0x2, s0;
	s12 =	smul.u32 $0x140, s3  }
0x1e: {  	s1 =	sadd.s32 $0x24200, s1;
	s9 =	simm.s32 $0x2;
	s5 =	sshrl.u32 s0, $0x1  }
0x1f: {  	[dreg:$0x2] =	wrdreg s1;
	s0 =	ssub.s32 s0, s5;
	s4 =	sshrl.u32 s12, $0x3  }
0x20: {  	v2 =	vlaneseq.u32;
	s3 =	sadd.s32 $0x4E00, s7;
	s0 =	smax.u32 s0, $0x1;
	s4 =	sadd.s32 s4, s7  }
0x21: {  	vm0 =	vmmov $0xffff;
	v1 =	vshrl.u32 v2, $0x3;
	s5 =	sadd.s32 $0x4F00, s7;
	[dreg:$0x19] =	wrdreg s0;
	s4 =	sadd.s32 $0x4800, s4  }
0x22: {  	v0 =	vand.u32 $0x7, v2;
	v2 =	vor.u32 $0x8, v2;
	v1 =	vmul.u32 $0x8, v1;
	s12 =	simm.s32 $0xB980;
	s7 =	sadd.s32 $0x5100, s7;
	[dreg:$0x18] =	wrdreg s4  }
.LBB2_1:
0x23: {  	s0 =	rddreg [dreg:$0x18]  }
0x24: {  	[tilespmem:s2], [sflag:$0x2] =	stream.linear.gather [hbm4b:s0+s2], $0x140, $0x38;
	[tilespmem:$0x14180] =	vst v63  }
0x25: {  	_ =	swait.ge [sflag:s9], $0x140  }
0x26: {  	[sflag:s9] =	ssyncset.done $0x0  }
0x27: {  	s1 =	simm.s32 $0x20;
	s0 =	simm.s32 $0x0;
	[sflag:s9] =	ssyncadd.s32 $0xFFFFFEC0  }
.LBB2_2:
0x28: {  	v3 =	vld [tilespmem:s1+$0xFFFFFFE0];
	_ =	sdelay $0x4  }
0x29: {  	v4 =	vshll.u32 v3, $0x3  }
0x2a: {  	v3 =	vand.u32 $0x7, v3;
	v4 =	vand.u32 $0xFFFFFFC0, v4  }
0x2b: {  	v3 =	vor.u32 v3, v4  }
0x2c: {  	v4 =	vperm.xlane v3, v0;
	_ =	sdelay $0x1  }
0x2d: {  	v4 =	vadd.s32 v1, v4;
	_ =	sdelay $0x4  }
0x2e: {  	[tilespmem:s10], [sflag:$0x1] =	stream.indirect_vreg.gather [hbm4b:s3+s2], $0x80, v4, vm0, $0xb8;
	[tilespmem:$0x14180] =	vst v63  }
0x2f: {  	s4 =	rddreg [dreg:$0x3];
	v3 =	vperm.xlane v3, v2  }
0x30: {  	[tilespmem:s4], [sflag:$0x1] =	stream.indirect_vreg.gather [hbm4b:s5+s2], $0x80, v4, vm0, $0xb8;
	[tilespmem:$0x14180] =	vst v63  }
0x31: {  	s8 =	rddreg [dreg:$0x4];
	v3 =	vadd.s32 v1, v3  }
0x32: {  	[tilespmem:s8], [sflag:$0x1] =	stream.indirect_vreg.gather [hbm4b:s6+s2], $0x80, v4, vm0, $0xb8;
	[tilespmem:$0x14180] =	vst v63  }
0x33: {  	s4 =	rddreg [dreg:$0x5]  }
0x34: {  	[tilespmem:s4], [sflag:$0x1] =	stream.indirect_vreg.gather [hbm4b:s7+s2], $0x80, v4, vm0, $0xb8;
	[tilespmem:$0x14180] =	vst v63  }
0x35: {  	s8 =	rddreg [dreg:$0x6]  }
0x36: {  	[tilespmem:s8], [sflag:$0x1] =	stream.indirect_vreg.gather [hbm4b:s3+s2], $0x80, v3, vm0, $0xb8;
	[tilespmem:$0x14180] =	vst v63  }
0x37: {  	s4 =	rddreg [dreg:$0x7]  }
0x38: {  	[tilespmem:s4], [sflag:$0x1] =	stream.indirect_vreg.gather [hbm4b:s5+s2], $0x80, v3, vm0, $0xb8;
	[tilespmem:$0x14180] =	vst v63  }
0x39: {  	s8 =	rddreg [dreg:$0x8]  }
0x3a: {  	[tilespmem:s8], [sflag:$0x1] =	stream.indirect_vreg.gather [hbm4b:s6+s2], $0x80, v3, vm0, $0xb8;
	[tilespmem:$0x14180] =	vst v63  }
0x3b: {  	s4 =	rddreg [dreg:$0x9]  }
0x3c: {  	[tilespmem:s4], [sflag:$0x1] =	stream.indirect_vreg.gather [hbm4b:s7+s2], $0x80, v3, vm0, $0xb8;
	[tilespmem:$0x14180] =	vst v63  }
0x3d: {  	v3 =	vld [tilespmem:s1+$0xFFFFFFF0];
	_ =	sdelay $0x4  }
0x3e: {  	v60 =	vshll.u32 v3, $0x3  }
0x3f: {  	v3 =	vand.u32 $0x7, v3;
	v4 =	vand.u32 $0xFFFFFFC0, v60  }
0x40: {  	v3 =	vor.u32 v3, v4  }
0x41: {  	v4 =	vperm.xlane v3, v0;
	_ =	sdelay $0x1  }
0x42: {  	v4 =	vadd.s32 v1, v4;
	_ =	sdelay $0x3  }
0x43: {  	s4 =	rddreg [dreg:$0xa]  }
0x44: {  	[tilespmem:s4], [sflag:$0x1] =	stream.indirect_vreg.gather [hbm4b:s3+s2], $0x80, v4, vm0, $0xb8;
	[tilespmem:$0x14180] =	vst v63  }
0x45: {  	s8 =	rddreg [dreg:$0xb];
	v3 =	vperm.xlane v3, v2  }
0x46: {  	[tilespmem:s8], [sflag:$0x1] =	stream.indirect_vreg.gather [hbm4b:s5+s2], $0x80, v4, vm0, $0xb8;
	[tilespmem:$0x14180] =	vst v63  }
0x47: {  	v3 =	vadd.s32 v1, v3;
	s4 =	rddreg [dreg:$0xc]  }
0x48: {  	[tilespmem:s4], [sflag:$0x1] =	stream.indirect_vreg.gather [hbm4b:s6+s2], $0x80, v4, vm0, $0xb8;
	[tilespmem:$0x14180] =	vst v63  }
0x49: {  	s8 =	rddreg [dreg:$0xd]  }
0x4a: {  	[tilespmem:s8], [sflag:$0x1] =	stream.indirect_vreg.gather [hbm4b:s7+s2], $0x80, v4, vm0, $0xb8;
	[tilespmem:$0x14180] =	vst v63  }
0x4b: {  	s4 =	rddreg [dreg:$0xe]  }
0x4c: {  	[tilespmem:s4], [sflag:$0x1] =	stream.indirect_vreg.gather [hbm4b:s3+s2], $0x80, v3, vm0, $0xb8;
	[tilespmem:$0x14180] =	vst v63  }
0x4d: {  	s8 =	rddreg [dreg:$0xf]  }
0x4e: {  	[tilespmem:s8], [sflag:$0x1] =	stream.indirect_vreg.gather [hbm4b:s5+s2], $0x80, v3, vm0, $0xb8;
	[tilespmem:$0x14180] =	vst v63  }
0x4f: {  	s4 =	rddreg [dreg:$0x10]  }
0x50: {  	[tilespmem:s4], [sflag:$0x1] =	stream.indirect_vreg.gather [hbm4b:s6+s2], $0x80, v3, vm0, $0xb8;
	[tilespmem:$0x14180] =	vst v63  }
0x51: {  	s8 =	rddreg [dreg:$0x11]  }
0x52: {  	[tilespmem:s8], [sflag:$0x1] =	stream.indirect_vreg.gather [hbm4b:s7+s2], $0x80, v3, vm0, $0xb8;
	[tilespmem:$0x14180] =	vst v63  }
0x53: {  	v3 =	vld [tilespmem:s1+$0x0];
	_ =	sdelay $0x4  }
0x54: {  	v61 =	vshll.u32 v3, $0x3  }
0x55: {  	v3 =	vand.u32 $0x7, v3;
	v4 =	vand.u32 $0xFFFFFFC0, v61  }
0x56: {  	v3 =	vor.u32 v3, v4  }
0x57: {  	v4 =	vperm.xlane v3, v0;
	_ =	sdelay $0x1  }
0x58: {  	v4 =	vadd.s32 v1, v4;
	_ =	sdelay $0x3  }
0x59: {  	s4 =	rddreg [dreg:$0x12]  }
0x5a: {  	[tilespmem:s4], [sflag:$0x1] =	stream.indirect_vreg.gather [hbm4b:s3+s2], $0x80, v4, vm0, $0xb8;
	[tilespmem:$0x14180] =	vst v63  }
0x5b: {  	s8 =	rddreg [dreg:$0x13];
	v3 =	vperm.xlane v3, v2  }
0x5c: {  	[tilespmem:s8], [sflag:$0x1] =	stream.indirect_vreg.gather [hbm4b:s5+s2], $0x80, v4, vm0, $0xb8;
	[tilespmem:$0x14180] =	vst v63  }
0x5d: {  	v3 =	vadd.s32 v1, v3;
	s4 =	rddreg [dreg:$0x14]  }
0x5e: {  	[tilespmem:s4], [sflag:$0x1] =	stream.indirect_vreg.gather [hbm4b:s6+s2], $0x80, v4, vm0, $0xb8;
	[tilespmem:$0x14180] =	vst v63  }
0x5f: {  	s8 =	rddreg [dreg:$0x15]  }
0x60: {  	[tilespmem:s8], [sflag:$0x1] =	stream.indirect_vreg.gather [hbm4b:s7+s2], $0x80, v4, vm0, $0xb8;
	[tilespmem:$0x14180] =	vst v63  }
0x61: {  	s4 =	rddreg [dreg:$0x16]  }
0x62: {  	[tilespmem:s4], [sflag:$0x1] =	stream.indirect_vreg.gather [hbm4b:s3+s2], $0x80, v3, vm0, $0xb8;
	[tilespmem:$0x14180] =	vst v63  }
0x63: {  	s8 =	rddreg [dreg:$0x17]  }
0x64: {  	[tilespmem:s8], [sflag:$0x1] =	stream.indirect_vreg.gather [hbm4b:s5+s2], $0x80, v3, vm0, $0xb8;
	[tilespmem:$0x14180] =	vst v63  }
0x65: {  	_ = 	snop  }
0x66: {  	[tilespmem:s11], [sflag:$0x1] =	stream.indirect_vreg.gather [hbm4b:s6+s2], $0x80, v3, vm0, $0xb8;
	[tilespmem:$0x14180] =	vst v63  }
0x67: {  	_ = 	snop  }
0x68: {  	[tilespmem:s12], [sflag:$0x1] =	stream.indirect_vreg.gather [hbm4b:s7+s2], $0x80, v3, vm0, $0xb8;
	[tilespmem:$0x14180] =	vst v63  }
0x69: {  	v3 =	vld [tilespmem:s1+$0x10];
	_ =	sdelay $0x4  }
0x6a: {  	v62 =	vshll.u32 v3, $0x3  }
0x6b: {  	v3 =	vand.u32 $0x7, v3;
	v4 =	vand.u32 $0xFFFFFFC0, v62  }
0x6c: {  	v3 =	vor.u32 v3, v4  }
0x6d: {  	v4 =	vperm.xlane v3, v0;
	_ =	sdelay $0x1  }
0x6e: {  	v4 =	vadd.s32 v1, v4;
	_ =	sdelay $0x4  }
0x6f: {  	[tilespmem:s13], [sflag:$0x1] =	stream.indirect_vreg.gather [hbm4b:s3+s2], $0x80, v4, vm0, $0xb8;
	[tilespmem:$0x14180] =	vst v63  }
0x70: {  	v3 =	vperm.xlane v3, v2  }
0x71: {  	[tilespmem:s14], [sflag:$0x1] =	stream.indirect_vreg.gather [hbm4b:s5+s2], $0x80, v4, vm0, $0xb8;
	[tilespmem:$0x14180] =	vst v63  }
0x72: {  	v3 =	vadd.s32 v1, v3  }
0x73: {  	[tilespmem:s15], [sflag:$0x1] =	stream.indirect_vreg.gather [hbm4b:s6+s2], $0x80, v4, vm0, $0xb8;
	[tilespmem:$0x14180] =	vst v63  }
0x74: {  	_ = 	snop  }
0x75: {  	[tilespmem:s16], [sflag:$0x1] =	stream.indirect_vreg.gather [hbm4b:s7+s2], $0x80, v4, vm0, $0xb8;
	[tilespmem:$0x14180] =	vst v63  }
0x76: {  	_ = 	snop  }
0x77: {  	[tilespmem:s17], [sflag:$0x1] =	stream.indirect_vreg.gather [hbm4b:s3+s2], $0x80, v3, vm0, $0xb8;
	[tilespmem:$0x14180] =	vst v63  }
0x78: {  	_ = 	snop  }
0x79: {  	[tilespmem:s18], [sflag:$0x1] =	stream.indirect_vreg.gather [hbm4b:s5+s2], $0x80, v3, vm0, $0xb8;
	[tilespmem:$0x14180] =	vst v63  }
0x7a: {  	_ = 	snop  }
0x7b: {  	[tilespmem:s19], [sflag:$0x1] =	stream.indirect_vreg.gather [hbm4b:s6+s2], $0x80, v3, vm0, $0xb8;
	[tilespmem:$0x14180] =	vst v63  }
0x7c: {  	_ = 	snop  }
0x7d: {  	[tilespmem:s20], [sflag:$0x1] =	stream.indirect_vreg.gather [hbm4b:s7+s2], $0x80, v3, vm0, $0xb8;
	[tilespmem:$0x14180] =	vst v63  }
0x7e: {  	v3 =	vld [tilespmem:s1+$0x20];
	_ =	sdelay $0x4  }
0x7f: {  	v63 =	vshll.u32 v3, $0x3  }
0x80: {  	v3 =	vand.u32 $0x7, v3;
	v4 =	vand.u32 $0xFFFFFFC0, v63  }
0x81: {  	v3 =	vor.u32 v3, v4  }
0x82: {  	v4 =	vperm.xlane v3, v0;
	_ =	sdelay $0x1  }
0x83: {  	v4 =	vadd.s32 v1, v4;
	_ =	sdelay $0x4  }
0x84: {  	[tilespmem:s21], [sflag:$0x1] =	stream.indirect_vreg.gather [hbm4b:s3+s2], $0x80, v4, vm0, $0xb8;
	[tilespmem:$0x14180] =	vst v63  }
0x85: {  	v3 =	vperm.xlane v3, v2  }
0x86: {  	[tilespmem:s22], [sflag:$0x1] =	stream.indirect_vreg.gather [hbm4b:s5+s2], $0x80, v4, vm0, $0xb8;
	[tilespmem:$0x14180] =	vst v63  }
0x87: {  	v3 =	vadd.s32 v1, v3  }
0x88: {  	[tilespmem:s23], [sflag:$0x1] =	stream.indirect_vreg.gather [hbm4b:s6+s2], $0x80, v4, vm0, $0xb8;
	[tilespmem:$0x14180] =	vst v63  }
0x89: {  	_ = 	snop  }
0x8a: {  	[tilespmem:s24], [sflag:$0x1] =	stream.indirect_vreg.gather [hbm4b:s7+s2], $0x80, v4, vm0, $0xb8;
	[tilespmem:$0x14180] =	vst v63  }
0x8b: {  	_ = 	snop  }
0x8c: {  	[tilespmem:s25], [sflag:$0x1] =	stream.indirect_vreg.gather [hbm4b:s3+s2], $0x80, v3, vm0, $0xb8;
	[tilespmem:$0x14180] =	vst v63  }
0x8d: {  	_ = 	snop  }
0x8e: {  	[tilespmem:s26], [sflag:$0x1] =	stream.indirect_vreg.gather [hbm4b:s5+s2], $0x80, v3, vm0, $0xb8;
	[tilespmem:$0x14180] =	vst v63  }
0x8f: {  	_ = 	snop  }
0x90: {  	[tilespmem:s28], [sflag:$0x1] =	stream.indirect_vreg.gather [hbm4b:s6+s2], $0x80, v3, vm0, $0xb8;
	[tilespmem:$0x14180] =	vst v63  }
0x91: {  	_ = 	snop  }
0x92: {  	[tilespmem:s29], [sflag:$0x1] =	stream.indirect_vreg.gather [hbm4b:s7+s2], $0x80, v3, vm0, $0xb8;
	[tilespmem:$0x14180] =	vst v63  }
0x93: {  	_ =	swait.ge [sflag:s30], $0x14000  }
0x94: {  	p0 =	sne.s32 s0, $0x7800;
	s8 =	rddreg [dreg:$0x2];
	[sflag:s30] =	ssyncset.done $0x0  }
.Ltmp0:
0x95: {  	[sflag:s30] =	ssyncadd.s32 $0xFFFEC000;
	s4 =	sadd.s32 s0, s8;
	(pc) =	sbr.rel @p0 .LBB2_2-.Ltmp0, $4  }
0x96: {  	[hbm4b:s4+s2] =	stream.linear.scatter [tilespmem:s10], [sflag:$0x2], $0x14000, $0x38;
	[tilespmem:$0x14180] =	vst v63  }
0x97: {  	_ =	swait.ge [sflag:s9], $0x14000  }
0x98: {  	[sflag:s9] =	ssyncset.done $0x0  }
0x99: {  	s1 =	sadd.s32 $0x50, s1;
	s0 =	sadd.s32 $0x2800, s0;
	[sflag:s9] =	ssyncadd.s32 $0xFFFEC000  }
0x9a: {  	s31 =	sadd.s32 $0x1, s31;
	s0 =	rddreg [dreg:$0x19]  }
0x9b: {  	p0 =	sne.s32 s31, s0  }
.Ltmp1:
0x9c: {  	_ = 	snop;
	(pc) =	sbr.rel @p0 .LBB2_1-.Ltmp1, $1  }
0x9d: {  	_ =	sdelay $0x3  }
0x9e: {  	_ =	sfence.sel $0x180000  }
0x9f: {  	[bflag:$0x0] =	sbarrier.arrive $0xFFFF  }
0xa0: {  	_ =	strace $0x90000047  }
0xa1: {  	s0 =	stileid.u32;
	[bflag:$0x2] =	sbarrier.arrive $0xFFFF  }
0xa2: {  	p0 =	sne.s32 s0, $0x0;
	s0 =	rddreg [dreg:$0x1]  }
0xa3: {  	s0 =	sadd.s32 @!p0 $0x100000, s0  }
0xa4: {  	[sflag:s0] =	ssyncadd.tile.s32 @!p0 $0x1;
	_ =	shalt  }
.Lfunc_end2:
_tile_overlayer_lowered:
.L_overlay_start_2:
0xa5: {  	(tag) =	ssettag $0x2  }
0xa6: {  	s0 =	rddreg [dreg:$0x0];
	s2 =	stileid.u32  }
0xa7: {  	s1 =	rddreg [dreg:$0x1];
	p0 =	sne.s32 s2, $0x0  }
0xa8: {  	s3 =	rddreg [dreg:$0x2];
	[bflag:$0x3] =	sbarrier.arrive $0xFFFF;
	s2 =	simm.s32 @!p0 $0x1C02  }
0xa9: {  	[timem:s3], [sflag:s2] =	dma.local @!p0 [hbm:s0], s1  }
0xaa: {  	s0 =	simm.s32 @!p0 $0x2  }
0xab: {  	_ =	swait.ge @!p0 [sflag:s0], s1  }
0xac: {  	s1 =	ssub.s32 @!p0 $0x0, s1;
	[sflag:s0] =	ssyncset.done @!p0 $0x0  }
0xad: {  	[sflag:s0] =	ssyncadd.s32 @!p0 s1  }
0xae: {  	[bflag:$0x3] =	sbarrier.arrive $0xFFFF  }
0xaf: {  	_ =	shalt  }

// kernel: kernel.17.cloned.1.call-start
scs
__scs_entry_jumppad:
0x0: {  	(pc) =	sbr.rel $0x88, $3  }
0x1: {  	(tag) =	ssettag $0x0;
	lr =	simm.s32 $0x1  }
0x2: {  	[smem:$0x3F97] =	sst lr;
	_ =	strace $0xD0000000  }
0x3: {  	_ = 	snop  }
0x4: {  	_ = 	snop  }
0x5: {  	_ = 	snop  }
0x6: {  	_ = 	snop  }
0x7: {  	_ = 	snop  }
__scs_overlays_trampoline_lowered:
0x8: {  	[smem:$0x3FA6] =	sst s0  }
0x9: {  	[smem:$0x3FA7] =	sst s1  }
0xa: {  	[smem:$0x3FA8] =	sst s2  }
0xb: {  	[smem:$0x3FA9] =	sst s3  }
0xc: {  	[smem:$0x3FAA] =	sst s4  }
0xd: {  	[smem:$0x3FAB] =	sst s5  }
0xe: {  	[smem:$0x3FAC] =	sst s6  }
0xf: {  	[smem:$0x3FAD] =	sst s7  }
0x10: {  	[smem:$0x3FAE] =	sst s8  }
0x11: {  	[smem:$0x3FAF] =	sst s9;
	s0 =	simm.s32 @!p0 $0x0  }
0x12: {  	s1 =	sld [smem:$0x3F95];
	s0 =	simm.s32 @p0 $0x1  }
0x13: {  	[smem:$0x3FB0] =	sst s0;
	s0 =	simm.s32 @!p1 $0x0  }
0x14: {  	s2 =	sld [smem:$0x3F94];
	s0 =	simm.s32 @p1 $0x1  }
0x15: {  	[smem:$0x3FB1] =	sst s0;
	s0 =	simm.s32 @!p2 $0x0  }
0x16: {  	s3 =	sld [smem:$0x3FDB];
	s0 =	simm.s32 @p2 $0x1  }
0x17: {  	s4 =	simm.s32 $0x1BF5;
	[smem:$0x3FB3] =	sst s0  }
0x18: {  	s0 =	sld [smem:$0x3F96];
	_ =	swait.ge [sflag:s4], $0x0  }
0x19: {  	s7 =	sld [smem:$0x3F97]  }
0x1a: {  	s8 =	sadd.s32 $0xFFFFE003, lr  }
0x1b: {  	s9 =	sadd.s32 $0xFFFFFEF7, lr;
	s5 =	simm.s32 $0xFFFFFFFF;
	p2 =	slt.u32 s8, $0xFFFFF086  }
0x1c: {  	p1 =	slt.u32 s9, $0xF7A;
	s5 =	simm.s32 @!p2 $0x0  }
0x1d: {  	s5 =	simm.s32 @p1 $0x1;
	p0 =	seq.s32 s7, s2  }
0x1e: {  	s7 =	smul.u32 @!p0 $0xF7A, s2;
	p2 =	seq.s32 @!p0 s5, $0x0  }
0x1f: {  	s9 =	smul.u32 $0xF7A, s1;
	s8 =	simm.s32 @!p0 $0x1BF5;
	p2 =	por !p2, p0  }
0x20: {  	[sflag:s8] =	ssyncset.s32 @!p0 $0xFFFFF086;
	s6 =	sadd.s32 @!p0 s3, s7;
	s7 =	simm.s32 @!p0 $0x108  }
0x21: {  	s3 =	sadd.s32 s3, s9;
	s6 =	sadd.s32 @!p0 $0x88, s6;
	s7 =	simm.s32 @p2 $0x1082  }
0x22: {  	[simem:s7], [sflag:s8] =	dma.local @!p0 [hbm:s6], $0xF7A  }
0x23: {  	s9 =	sor.u32 $0xD0000000, s2;
	s6 =	simm.s32 $0x108;
	_ =	swait.ge @!p0 [sflag:s8], $0x0  }
0x24: {  	s3 =	sadd.s32 $0x88, s3;
	s6 =	simm.s32 @!p1 $0x1082;
	[sflag:s4] =	ssyncset.s32 $0xFFFFF086  }
0x25: {  	[simem:s6], [sflag:s4] =	dma.local [hbm:s3], $0xF7A  }
0x26: {  	[smem:$0x3F97] =	sst s1;
	(tag) =	ssettag s2;
	_ =	strace s9  }
0x27: {  	s1 =	sld [smem:$0x3FA7]  }
0x28: {  	s2 =	sld [smem:$0x3FA8]  }
0x29: {  	s4 =	sld [smem:$0x3FAA]  }
0x2a: {  	p0 =	seq.s32 s5, $0x0;
	s5 =	sld [smem:$0x3FAB]  }
0x2b: {  	s6 =	sld [smem:$0x3FAC]  }
0x2c: {  	s7 =	sld [smem:$0x3FAD]  }
0x2d: {  	s3 =	simm.s32 $0x108;
	s8 =	sld [smem:$0x3FAE]  }
0x2e: {  	s3 =	simm.s32 @!p0 $0x1082;
	s9 =	sld [smem:$0x3FAF]  }
0x2f: {  	lr =	sadd.s32 s0, s3;
	s0 =	sld [smem:$0x3FA6]  }
0x30: {  	s3 =	sld [smem:$0x3FA9]  }
0x31: {  	[smem:$0x3FB2] =	sst s10  }
0x32: {  	s10 =	sld [smem:$0x3FB0];
	_ =	sdelay $0x3  }
0x33: {  	p0 =	seq.s32 s10, $0x1;
	s10 =	sld [smem:$0x3FB2];
	_ =	sdelay $0x3  }
0x34: {  	[smem:$0x3FB2] =	sst s10  }
0x35: {  	s10 =	sld [smem:$0x3FB1];
	_ =	sdelay $0x3  }
0x36: {  	p1 =	seq.s32 s10, $0x1;
	s10 =	sld [smem:$0x3FB2];
	_ =	sdelay $0x3  }
0x37: {  	[smem:$0x3FB2] =	sst s10  }
0x38: {  	s10 =	sld [smem:$0x3FB3]  }
0x39: {  	_ = 	snop;
	(pc) =	sbr.ind lr, $3  }
0x3a: {  	_ = 	snop  }
0x3b: {  	_ = 	snop  }
0x3c: {  	p2 =	seq.s32 s10, $0x1;
	s10 =	sld [smem:$0x3FB2]  }
0x3d: {  	_ =	shalt  }
0x3e: {  	_ =	shalt  }
0x3f: {  	_ =	shalt  }
0x40: {  	_ =	shalt  }
0x41: {  	_ =	shalt  }
0x42: {  	_ =	shalt  }
0x43: {  	_ =	shalt  }
0x44: {  	_ =	shalt  }
0x45: {  	_ =	shalt  }
0x46: {  	_ =	shalt  }
0x47: {  	_ =	shalt  }
0x48: {  	_ =	shalt  }
0x49: {  	_ =	shalt  }
0x4a: {  	_ =	shalt  }
0x4b: {  	_ =	shalt  }
0x4c: {  	_ =	shalt  }
0x4d: {  	_ =	shalt  }
0x4e: {  	_ =	shalt  }
0x4f: {  	_ =	shalt  }
0x50: {  	_ =	shalt  }
0x51: {  	_ =	shalt  }
0x52: {  	_ =	shalt  }
0x53: {  	_ =	shalt  }
0x54: {  	_ =	shalt  }
0x55: {  	_ =	shalt  }
0x56: {  	_ =	shalt  }
0x57: {  	_ =	shalt  }
0x58: {  	_ =	shalt  }
0x59: {  	_ =	shalt  }
0x5a: {  	_ =	shalt  }
0x5b: {  	_ =	shalt  }
0x5c: {  	_ =	shalt  }
0x5d: {  	_ =	shalt  }
0x5e: {  	_ =	shalt  }
0x5f: {  	_ =	shalt  }
0x60: {  	_ =	shalt  }
0x61: {  	_ =	shalt  }
0x62: {  	_ =	shalt  }
0x63: {  	_ =	shalt  }
0x64: {  	_ =	shalt  }
0x65: {  	_ =	shalt  }
0x66: {  	_ =	shalt  }
0x67: {  	_ =	shalt  }
0x68: {  	_ =	shalt  }
0x69: {  	_ =	shalt  }
0x6a: {  	_ =	shalt  }
0x6b: {  	_ =	shalt  }
0x6c: {  	_ =	shalt  }
0x6d: {  	_ =	shalt  }
0x6e: {  	_ =	shalt  }
0x6f: {  	_ =	shalt  }
0x70: {  	_ =	shalt  }
0x71: {  	_ =	shalt  }
0x72: {  	_ =	shalt  }
0x73: {  	_ =	shalt  }
0x74: {  	_ =	shalt  }
0x75: {  	_ =	shalt  }
0x76: {  	_ =	shalt  }
0x77: {  	_ =	shalt  }
0x78: {  	_ =	shalt  }
0x79: {  	_ =	shalt  }
0x7a: {  	_ =	shalt  }
0x7b: {  	_ =	shalt  }
0x7c: {  	_ =	shalt  }
0x7d: {  	_ =	shalt  }
0x7e: {  	_ =	shalt  }
0x7f: {  	_ =	shalt  }
0x80: {  	_ =	shalt  }
0x81: {  	_ =	shalt  }
0x82: {  	_ =	shalt  }
0x83: {  	_ =	shalt  }
0x84: {  	_ =	shalt  }
0x85: {  	_ =	shalt  }
0x86: {  	_ =	shalt  }
0x87: {  	_ =	shalt  }
.Lfunc_end0:
.L_simem_size_0:
called_computation.1_lowered:
.L_overlay_start_0:
0x88: {  	s2 =	sld [smem:$0x3FD9]  }
0x89: {  	s3 =	sld [smem:$0x3FFE];
	_ =	sdelay $0x1  }
0x8a: {  	s1 =	srdreg.scid  }
0x8b: {  	s0 =	sand.u32 $0x1, s1  }
0x8c: {  	s17 =	sshll.u32 s0, $0xA;
	s2 =	sadd.s32 s3, s2  }
0x8d: {  	s2 =	sadd.s32 s2, s17  }
0x8e: {  	[smem:$0x3FBE] =	sst s2  }
0x8f: {  	_ = 	snop  }
0x90: {  	(tm) =	ssettm $0x1  }
0x91: {  	s18 =	sld [smem:$0x3FFB];
	_ =	sdelay $0x3  }
0x92: {  	_ =	strace s18  }
0x93: {  	s2 =	sld [smem:$0x3FFC];
	_ =	sdelay $0x3  }
0x94: {  	_ =	strace s2  }
0x95: {  	s2 =	sld [smem:$0x3FFD];
	_ =	sdelay $0x3  }
0x96: {  	_ =	strace s2  }
0x97: {  	_ =	strace $0x8FFFFFFF  }
0x98: {  	s19 =	sld [smem:$0x3FDB];
	_ =	sdelay $0x1  }
0x99: {  	s20 =	simm.s32 $_scs_section_size  }
0x9a: {  	s4 =	simm.s32 $_size__tile_overlayer_lowered;
	s5 =	simm.s32 $_tile_overlayer_lowered  }
0x9b: {  	s6 =	simm.s32 $0x1BFF;
	s21 =	sshll.u32 s5, $0x1;
	s3 =	sadd.s32 s20, s19  }
0x9c: {  	s22 =	simm.s32 $0x0;
	s4 =	sshll.u32 s4, $0x1;
	s5 =	sadd.s32 s21, s3  }
0x9d: {  	[timem:s22], [sflag:s6] =	dma.local [hbm:s5], s4  }
0x9e: {  	_ =	swait.ge [sflag:s6], s4  }
0x9f: {  	s4 =	ssub.s32 $0x0, s4;
	[sflag:s6] =	ssyncset.done $0x0  }
0xa0: {  	[sflag:s6] =	ssyncadd.s32 s4;
	_ =	sdelay $0x1  }
0xa1: {  	s23 =	simm.s32 $0x1B8B  }
0xa2: {  	_ =	swait.ge [sflag:s23], $0x1  }
0xa3: {  	[sflag:s23] =	ssyncset.done $0x0  }
0xa4: {  	[sflag:s23] =	ssyncadd.s32 $0xFFFFFFFF  }
0xa5: {  	s4 =	sld [smem:$0x0]  }
0xa6: {  	s5 =	sand.u32 $0xFFFFFFFE, s1  }
0xa7: {  	p0 =	sne.s32 s1, s5  }
0xa8: {  	s5 =	sshll.u32 @p0 s5, $0xE  }
0xa9: {  	s5 =	sadd.s32 @p0 $0x11B8D, s5;
	s6 =	sshll.u32 @p0 s4, $0x11  }
0xaa: {  	s5 =	sor.u32 @p0 s6, s5  }
0xab: {  	[sflag:s5] =	ssyncadd.remote.s32 @p0 $0x1;
	_ =	sdelay $0x1  }
0xac: {  	s5 =	simm.s32 @p0 $0x1B8D  }
0xad: {  	_ =	swait.eq @p0 [sflag:s5], $0x1  }
0xae: {  	[sflag:s5] =	ssyncadd.s32 @p0 $0xFFFFFFFF  }
0xaf: {  	s6 =	sshll.u32 @!p0 s1, $0xE  }
0xb0: {  	s6 =	sor.u32 @!p0 $0x4000, s6;
	s5 =	simm.s32 @!p0 $0x1B8D  }
0xb1: {  	s4 =	sshll.u32 @!p0 s4, $0x11;
	s6 =	sadd.s32 @!p0 $0x11B8D, s6;
	_ =	swait.eq @!p0 [sflag:s5], $0x1  }
0xb2: {  	s4 =	sor.u32 @!p0 s4, s6;
	[sflag:s5] =	ssyncadd.s32 @!p0 $0xFFFFFFFF  }
0xb3: {  	s25 =	simm.s32 $0x1B8E;
	s24 =	sld [smem:$0x3FFE];
	[sflag:s4] =	ssyncadd.remote.s32 @!p0 $0x1  }
0xb4: {  	s26 =	simm.s32 $execute0_lowered;
	[smem:$0x3FD2] =	sst s25  }
0xb5: {  	s5 =	sshll.u32 s26, $0x1;
	_ =	strace $0x80000049;
	[dreg:$0x1] =	wrdreg $0xFFFFFFFF  }
0xb6: {  	s28 =	simm.s32 $_size_execute0_lowered;
	s3 =	sadd.s32 s3, s5;
	[dreg:$0x0] =	wrdreg $0x0  }
0xb7: {  	s5 =	sshll.u32 s28, $0x1;
	[dreg:$0x2] =	wrdreg s3  }
0xb8: {  	[dreg:$0x3] =	wrdreg s5  }
0xb9: {  	[dreg:$0x4] =	wrdreg $0xC0  }
0xba: {  	_ =	task [dreg:s22], $0x5FFFF  }
0xbb: {  	[dreg:$0x1] =	wrdreg $0xFFFFFFFF  }
0xbc: {  	[dreg:$0x0] =	wrdreg $0x60  }
0xbd: {  	[dreg:$0x2] =	wrdreg s24  }
0xbe: {  	[dreg:$0x3] =	wrdreg $0xA  }
0xbf: {  	_ =	task.clear_ibuf [dreg:s22], $0x4FFFF;
	_ =	strace $0x90000049  }
0xc0: {  	s29 =	simm.s32 $0xA;
	_ =	strace $0x8000004B  }
0xc1: {  	_ =	swait.ge [sflag:s29], $0x1  }
0xc2: {  	[sflag:s29] =	ssyncadd.s32 $0xFFFFFFFF  }
0xc3: {  	_ =	strace $0x9000004B  }
0xc4: {  	_ =	sfence  }
0xc5: {  	s30 =	sld [smem:$0x0];
	_ =	sdelay $0x2  }
0xc6: {  	s31 =	sshll.u32 s1, $0xD;
	s1 =	sshrl.u32 s1, $0x2  }
0xc7: {  	s4 =	sand.u32 $0x4000, s31;
	s1 =	sadd.s32 s1, s30  }
0xc8: {  	s0 =	sor.u32 s4, s0;
	s1 =	sshll.u32 s1, $0x11  }
0xc9: {  	s0 =	sor.u32 s1, s0  }
0xca: {  	s0 =	sadd.s32 $0x8F2B, s0  }
0xcb: {  	[sflag:s0] =	ssyncadd.remote.s32 $0x1  }
0xcc: {  	_ =	sfence.sel $0xFFFF  }
0xcd: {  	[dreg:$0x0] =	wrdreg $0xFFFFFFFF;
	(pc) =	sbr.abs _section_cstart, $3  }
0xce: {  	[dreg:$0x1] =	wrdreg $0xFFFFFFFF  }
0xcf: {  	_ =	task.clear_ibuf [dreg:s22], $0x2FFFF;
	_ =	strace $0x9FFFFFFF  }
0xd0: {  	(tm) =	ssettm $0x7FFFFFFF  }
0xd1: {  	_ =	shalt  }
tec
execute0_lowered:
.L_overlay_start_1:
0x0: {  	(tag) =	ssettag $0x1  }
0x1: {  	s7 =	rddreg [dreg:$0x0];
	s2 =	simm.s32 $0x0  }
0x2: {  	s26 =	simm.s32 $0x980;
	[smem:$0x7FF] =	sst s2  }
0x3: {  	s5 =	simm.s32 $0x1980;
	_ =	strace $0x8000004A;
	[dreg:$0x3] =	wrdreg s26  }
0x4: {  	s6 =	simm.s32 $0x2180;
	[dreg:$0x5] =	wrdreg s5  }
0x5: {  	s8 =	simm.s32 $0x2980;
	[dreg:$0x6] =	wrdreg s6  }
0x6: {  	s10 =	simm.s32 $0x3180;
	[dreg:$0x7] =	wrdreg s8  }
0x7: {  	s11 =	simm.s32 $0x3980;
	[dreg:$0x8] =	wrdreg s10  }
0x8: {  	s13 =	simm.s32 $0x4180;
	[dreg:$0x9] =	wrdreg s11  }
0x9: {  	s14 =	simm.s32 $0x4980;
	[dreg:$0xa] =	wrdreg s13  }
0xa: {  	s15 =	simm.s32 $0x5180;
	[dreg:$0xb] =	wrdreg s14  }
0xb: {  	s0 =	srdreg.scid;
	s16 =	simm.s32 $0x5980;
	[dreg:$0xc] =	wrdreg s15  }
0xc: {  	s4 =	stileid.u32;
	s17 =	simm.s32 $0x6180;
	[dreg:$0xd] =	wrdreg s16  }
0xd: {  	s18 =	simm.s32 $0x6980;
	s19 =	simm.s32 $0x7180;
	[dreg:$0xe] =	wrdreg s17  }
0xe: {  	s20 =	simm.s32 $0x7980;
	s21 =	simm.s32 $0x8180;
	[dreg:$0xf] =	wrdreg s18  }
0xf: {  	s22 =	simm.s32 $0x8980;
	s23 =	simm.s32 $0x9180;
	[dreg:$0x10] =	wrdreg s19  }
0x10: {  	s24 =	simm.s32 $0x9980;
	s25 =	simm.s32 $0xA180;
	[dreg:$0x11] =	wrdreg s20  }
0x11: {  	s28 =	simm.s32 $0x13180;
	s29 =	simm.s32 $0x13980;
	[dreg:$0x12] =	wrdreg s21  }
0x12: {  	s30 =	simm.s32 $0x1;
	s31 =	simm.s32 $0x0;
	[dreg:$0x13] =	wrdreg s22  }
0x13: {  	s0 =	sand.u32 $0x1, s0;
	s1 =	smul.u32 $0x14000, s4;
	[dreg:$0x14] =	wrdreg s23  }
0x14: {  	s9 =	sshll.u32 s4, $0x1;
	s3 =	smul.u32 $0xA000, s0;
	[dreg:$0x15] =	wrdreg s24  }
0x15: {  	s6 =	sadd.s32 $0x5000, s7;
	s10 =	simm.s32 $0x180;
	[dreg:$0x16] =	wrdreg s25  }
0x16: {  	s26 =	simm.s32 $0xA980;
	s11 =	simm.s32 $0xB180;
	s13 =	simm.s32 $0xC180  }
0x17: {  	s14 =	simm.s32 $0xC980;
	s15 =	simm.s32 $0xD180;
	s16 =	simm.s32 $0xD980  }
0x18: {  	s17 =	simm.s32 $0xE180;
	s18 =	simm.s32 $0xE980;
	s19 =	simm.s32 $0xF180  }
0x19: {  	s20 =	simm.s32 $0xF980;
	s21 =	simm.s32 $0x10180;
	s22 =	simm.s32 $0x10980  }
0x1a: {  	s23 =	simm.s32 $0x11180;
	s24 =	simm.s32 $0x11980;
	s1 =	sadd.s32 s1, s7  }
0x1b: {  	[dreg:$0x17] =	wrdreg s26;
	s1 =	sadd.s32 s3, s1;
	s3 =	simm.s32 $0x1180  }
0x1c: {  	s25 =	simm.s32 $0x12180;
	[dreg:$0x4] =	wrdreg s3;
	s3 =	sor.u32 s0, s9  }
0x1d: {  	s26 =	simm.s32 $0x12980;
	s0 =	ssub.s32 $0x2, s0;
	s12 =	smul.u32 $0x140, s3  }
0x1e: {  	s1 =	sadd.s32 $0x164800, s1;
	s9 =	simm.s32 $0x2;
	s5 =	sshrl.u32 s0, $0x1  }
0x1f: {  	[dreg:$0x2] =	wrdreg s1;
	s0 =	ssub.s32 s0, s5;
	s4 =	sshrl.u32 s12, $0x3  }
0x20: {  	v2 =	vlaneseq.u32;
	s3 =	sadd.s32 $0x4E00, s7;
	s0 =	smax.u32 s0, $0x1;
	s4 =	sadd.s32 s4, s7  }
0x21: {  	vm0 =	vmmov $0xffff;
	v1 =	vshrl.u32 v2, $0x3;
	s5 =	sadd.s32 $0x4F00, s7;
	[dreg:$0x19] =	wrdreg s0;
	s4 =	sadd.s32 $0x164200, s4  }
0x22: {  	v0 =	vand.u32 $0x7, v2;
	v2 =	vor.u32 $0x8, v2;
	v1 =	vmul.u32 $0x8, v1;
	s12 =	simm.s32 $0xB980;
	s7 =	sadd.s32 $0x5100, s7;
	[dreg:$0x18] =	wrdreg s4  }
.LBB2_1:
0x23: {  	s0 =	rddreg [dreg:$0x18]  }
0x24: {  	[tilespmem:s2], [sflag:$0x2] =	stream.linear.gather [hbm4b:s0+s2], $0x140, $0x38;
	[tilespmem:$0x14180] =	vst v63  }
0x25: {  	_ =	swait.ge [sflag:s9], $0x140  }
0x26: {  	[sflag:s9] =	ssyncset.done $0x0  }
0x27: {  	s1 =	simm.s32 $0x20;
	s0 =	simm.s32 $0x0;
	[sflag:s9] =	ssyncadd.s32 $0xFFFFFEC0  }
.LBB2_2:
0x28: {  	v3 =	vld [tilespmem:s1+$0xFFFFFFE0];
	_ =	sdelay $0x4  }
0x29: {  	v4 =	vshll.u32 v3, $0x3  }
0x2a: {  	v3 =	vand.u32 $0x7, v3;
	v4 =	vand.u32 $0xFFFFFFC0, v4  }
0x2b: {  	v3 =	vor.u32 v3, v4  }
0x2c: {  	v4 =	vperm.xlane v3, v0;
	_ =	sdelay $0x1  }
0x2d: {  	v4 =	vadd.s32 v1, v4;
	_ =	sdelay $0x4  }
0x2e: {  	[tilespmem:s10], [sflag:$0x1] =	stream.indirect_vreg.gather [hbm4b:s3+s2], $0x80, v4, vm0, $0xb8;
	[tilespmem:$0x14180] =	vst v63  }
0x2f: {  	s4 =	rddreg [dreg:$0x3];
	v3 =	vperm.xlane v3, v2  }
0x30: {  	[tilespmem:s4], [sflag:$0x1] =	stream.indirect_vreg.gather [hbm4b:s5+s2], $0x80, v4, vm0, $0xb8;
	[tilespmem:$0x14180] =	vst v63  }
0x31: {  	s8 =	rddreg [dreg:$0x4];
	v3 =	vadd.s32 v1, v3  }
0x32: {  	[tilespmem:s8], [sflag:$0x1] =	stream.indirect_vreg.gather [hbm4b:s6+s2], $0x80, v4, vm0, $0xb8;
	[tilespmem:$0x14180] =	vst v63  }
0x33: {  	s4 =	rddreg [dreg:$0x5]  }
0x34: {  	[tilespmem:s4], [sflag:$0x1] =	stream.indirect_vreg.gather [hbm4b:s7+s2], $0x80, v4, vm0, $0xb8;
	[tilespmem:$0x14180] =	vst v63  }
0x35: {  	s8 =	rddreg [dreg:$0x6]  }
0x36: {  	[tilespmem:s8], [sflag:$0x1] =	stream.indirect_vreg.gather [hbm4b:s3+s2], $0x80, v3, vm0, $0xb8;
	[tilespmem:$0x14180] =	vst v63  }
0x37: {  	s4 =	rddreg [dreg:$0x7]  }
0x38: {  	[tilespmem:s4], [sflag:$0x1] =	stream.indirect_vreg.gather [hbm4b:s5+s2], $0x80, v3, vm0, $0xb8;
	[tilespmem:$0x14180] =	vst v63  }
0x39: {  	s8 =	rddreg [dreg:$0x8]  }
0x3a: {  	[tilespmem:s8], [sflag:$0x1] =	stream.indirect_vreg.gather [hbm4b:s6+s2], $0x80, v3, vm0, $0xb8;
	[tilespmem:$0x14180] =	vst v63  }
0x3b: {  	s4 =	rddreg [dreg:$0x9]  }
0x3c: {  	[tilespmem:s4], [sflag:$0x1] =	stream.indirect_vreg.gather [hbm4b:s7+s2], $0x80, v3, vm0, $0xb8;
	[tilespmem:$0x14180] =	vst v63  }
0x3d: {  	v3 =	vld [tilespmem:s1+$0xFFFFFFF0];
	_ =	sdelay $0x4  }
0x3e: {  	v60 =	vshll.u32 v3, $0x3  }
0x3f: {  	v3 =	vand.u32 $0x7, v3;
	v4 =	vand.u32 $0xFFFFFFC0, v60  }
0x40: {  	v3 =	vor.u32 v3, v4  }
0x41: {  	v4 =	vperm.xlane v3, v0;
	_ =	sdelay $0x1  }
0x42: {  	v4 =	vadd.s32 v1, v4;
	_ =	sdelay $0x3  }
0x43: {  	s4 =	rddreg [dreg:$0xa]  }
0x44: {  	[tilespmem:s4], [sflag:$0x1] =	stream.indirect_vreg.gather [hbm4b:s3+s2], $0x80, v4, vm0, $0xb8;
	[tilespmem:$0x14180] =	vst v63  }
0x45: {  	s8 =	rddreg [dreg:$0xb];
	v3 =	vperm.xlane v3, v2  }
0x46: {  	[tilespmem:s8], [sflag:$0x1] =	stream.indirect_vreg.gather [hbm4b:s5+s2], $0x80, v4, vm0, $0xb8;
	[tilespmem:$0x14180] =	vst v63  }
0x47: {  	v3 =	vadd.s32 v1, v3;
	s4 =	rddreg [dreg:$0xc]  }
0x48: {  	[tilespmem:s4], [sflag:$0x1] =	stream.indirect_vreg.gather [hbm4b:s6+s2], $0x80, v4, vm0, $0xb8;
	[tilespmem:$0x14180] =	vst v63  }
0x49: {  	s8 =	rddreg [dreg:$0xd]  }
0x4a: {  	[tilespmem:s8], [sflag:$0x1] =	stream.indirect_vreg.gather [hbm4b:s7+s2], $0x80, v4, vm0, $0xb8;
	[tilespmem:$0x14180] =	vst v63  }
0x4b: {  	s4 =	rddreg [dreg:$0xe]  }
0x4c: {  	[tilespmem:s4], [sflag:$0x1] =	stream.indirect_vreg.gather [hbm4b:s3+s2], $0x80, v3, vm0, $0xb8;
	[tilespmem:$0x14180] =	vst v63  }
0x4d: {  	s8 =	rddreg [dreg:$0xf]  }
0x4e: {  	[tilespmem:s8], [sflag:$0x1] =	stream.indirect_vreg.gather [hbm4b:s5+s2], $0x80, v3, vm0, $0xb8;
	[tilespmem:$0x14180] =	vst v63  }
0x4f: {  	s4 =	rddreg [dreg:$0x10]  }
0x50: {  	[tilespmem:s4], [sflag:$0x1] =	stream.indirect_vreg.gather [hbm4b:s6+s2], $0x80, v3, vm0, $0xb8;
	[tilespmem:$0x14180] =	vst v63  }
0x51: {  	s8 =	rddreg [dreg:$0x11]  }
0x52: {  	[tilespmem:s8], [sflag:$0x1] =	stream.indirect_vreg.gather [hbm4b:s7+s2], $0x80, v3, vm0, $0xb8;
	[tilespmem:$0x14180] =	vst v63  }
0x53: {  	v3 =	vld [tilespmem:s1+$0x0];
	_ =	sdelay $0x4  }
0x54: {  	v61 =	vshll.u32 v3, $0x3  }
0x55: {  	v3 =	vand.u32 $0x7, v3;
	v4 =	vand.u32 $0xFFFFFFC0, v61  }
0x56: {  	v3 =	vor.u32 v3, v4  }
0x57: {  	v4 =	vperm.xlane v3, v0;
	_ =	sdelay $0x1  }
0x58: {  	v4 =	vadd.s32 v1, v4;
	_ =	sdelay $0x3  }
0x59: {  	s4 =	rddreg [dreg:$0x12]  }
0x5a: {  	[tilespmem:s4], [sflag:$0x1] =	stream.indirect_vreg.gather [hbm4b:s3+s2], $0x80, v4, vm0, $0xb8;
	[tilespmem:$0x14180] =	vst v63  }
0x5b: {  	s8 =	rddreg [dreg:$0x13];
	v3 =	vperm.xlane v3, v2  }
0x5c: {  	[tilespmem:s8], [sflag:$0x1] =	stream.indirect_vreg.gather [hbm4b:s5+s2], $0x80, v4, vm0, $0xb8;
	[tilespmem:$0x14180] =	vst v63  }
0x5d: {  	v3 =	vadd.s32 v1, v3;
	s4 =	rddreg [dreg:$0x14]  }
0x5e: {  	[tilespmem:s4], [sflag:$0x1] =	stream.indirect_vreg.gather [hbm4b:s6+s2], $0x80, v4, vm0, $0xb8;
	[tilespmem:$0x14180] =	vst v63  }
0x5f: {  	s8 =	rddreg [dreg:$0x15]  }
0x60: {  	[tilespmem:s8], [sflag:$0x1] =	stream.indirect_vreg.gather [hbm4b:s7+s2], $0x80, v4, vm0, $0xb8;
	[tilespmem:$0x14180] =	vst v63  }
0x61: {  	s4 =	rddreg [dreg:$0x16]  }
0x62: {  	[tilespmem:s4], [sflag:$0x1] =	stream.indirect_vreg.gather [hbm4b:s3+s2], $0x80, v3, vm0, $0xb8;
	[tilespmem:$0x14180] =	vst v63  }
0x63: {  	s8 =	rddreg [dreg:$0x17]  }
0x64: {  	[tilespmem:s8], [sflag:$0x1] =	stream.indirect_vreg.gather [hbm4b:s5+s2], $0x80, v3, vm0, $0xb8;
	[tilespmem:$0x14180] =	vst v63  }
0x65: {  	_ = 	snop  }
0x66: {  	[tilespmem:s11], [sflag:$0x1] =	stream.indirect_vreg.gather [hbm4b:s6+s2], $0x80, v3, vm0, $0xb8;
	[tilespmem:$0x14180] =	vst v63  }
0x67: {  	_ = 	snop  }
0x68: {  	[tilespmem:s12], [sflag:$0x1] =	stream.indirect_vreg.gather [hbm4b:s7+s2], $0x80, v3, vm0, $0xb8;
	[tilespmem:$0x14180] =	vst v63  }
0x69: {  	v3 =	vld [tilespmem:s1+$0x10];
	_ =	sdelay $0x4  }
0x6a: {  	v62 =	vshll.u32 v3, $0x3  }
0x6b: {  	v3 =	vand.u32 $0x7, v3;
	v4 =	vand.u32 $0xFFFFFFC0, v62  }
0x6c: {  	v3 =	vor.u32 v3, v4  }
0x6d: {  	v4 =	vperm.xlane v3, v0;
	_ =	sdelay $0x1  }
0x6e: {  	v4 =	vadd.s32 v1, v4;
	_ =	sdelay $0x4  }
0x6f: {  	[tilespmem:s13], [sflag:$0x1] =	stream.indirect_vreg.gather [hbm4b:s3+s2], $0x80, v4, vm0, $0xb8;
	[tilespmem:$0x14180] =	vst v63  }
0x70: {  	v3 =	vperm.xlane v3, v2  }
0x71: {  	[tilespmem:s14], [sflag:$0x1] =	stream.indirect_vreg.gather [hbm4b:s5+s2], $0x80, v4, vm0, $0xb8;
	[tilespmem:$0x14180] =	vst v63  }
0x72: {  	v3 =	vadd.s32 v1, v3  }
0x73: {  	[tilespmem:s15], [sflag:$0x1] =	stream.indirect_vreg.gather [hbm4b:s6+s2], $0x80, v4, vm0, $0xb8;
	[tilespmem:$0x14180] =	vst v63  }
0x74: {  	_ = 	snop  }
0x75: {  	[tilespmem:s16], [sflag:$0x1] =	stream.indirect_vreg.gather [hbm4b:s7+s2], $0x80, v4, vm0, $0xb8;
	[tilespmem:$0x14180] =	vst v63  }
0x76: {  	_ = 	snop  }
0x77: {  	[tilespmem:s17], [sflag:$0x1] =	stream.indirect_vreg.gather [hbm4b:s3+s2], $0x80, v3, vm0, $0xb8;
	[tilespmem:$0x14180] =	vst v63  }
0x78: {  	_ = 	snop  }
0x79: {  	[tilespmem:s18], [sflag:$0x1] =	stream.indirect_vreg.gather [hbm4b:s5+s2], $0x80, v3, vm0, $0xb8;
	[tilespmem:$0x14180] =	vst v63  }
0x7a: {  	_ = 	snop  }
0x7b: {  	[tilespmem:s19], [sflag:$0x1] =	stream.indirect_vreg.gather [hbm4b:s6+s2], $0x80, v3, vm0, $0xb8;
	[tilespmem:$0x14180] =	vst v63  }
0x7c: {  	_ = 	snop  }
0x7d: {  	[tilespmem:s20], [sflag:$0x1] =	stream.indirect_vreg.gather [hbm4b:s7+s2], $0x80, v3, vm0, $0xb8;
	[tilespmem:$0x14180] =	vst v63  }
0x7e: {  	v3 =	vld [tilespmem:s1+$0x20];
	_ =	sdelay $0x4  }
0x7f: {  	v63 =	vshll.u32 v3, $0x3  }
0x80: {  	v3 =	vand.u32 $0x7, v3;
	v4 =	vand.u32 $0xFFFFFFC0, v63  }
0x81: {  	v3 =	vor.u32 v3, v4  }
0x82: {  	v4 =	vperm.xlane v3, v0;
	_ =	sdelay $0x1  }
0x83: {  	v4 =	vadd.s32 v1, v4;
	_ =	sdelay $0x4  }
0x84: {  	[tilespmem:s21], [sflag:$0x1] =	stream.indirect_vreg.gather [hbm4b:s3+s2], $0x80, v4, vm0, $0xb8;
	[tilespmem:$0x14180] =	vst v63  }
0x85: {  	v3 =	vperm.xlane v3, v2  }
0x86: {  	[tilespmem:s22], [sflag:$0x1] =	stream.indirect_vreg.gather [hbm4b:s5+s2], $0x80, v4, vm0, $0xb8;
	[tilespmem:$0x14180] =	vst v63  }
0x87: {  	v3 =	vadd.s32 v1, v3  }
0x88: {  	[tilespmem:s23], [sflag:$0x1] =	stream.indirect_vreg.gather [hbm4b:s6+s2], $0x80, v4, vm0, $0xb8;
	[tilespmem:$0x14180] =	vst v63  }
0x89: {  	_ = 	snop  }
0x8a: {  	[tilespmem:s24], [sflag:$0x1] =	stream.indirect_vreg.gather [hbm4b:s7+s2], $0x80, v4, vm0, $0xb8;
	[tilespmem:$0x14180] =	vst v63  }
0x8b: {  	_ = 	snop  }
0x8c: {  	[tilespmem:s25], [sflag:$0x1] =	stream.indirect_vreg.gather [hbm4b:s3+s2], $0x80, v3, vm0, $0xb8;
	[tilespmem:$0x14180] =	vst v63  }
0x8d: {  	_ = 	snop  }
0x8e: {  	[tilespmem:s26], [sflag:$0x1] =	stream.indirect_vreg.gather [hbm4b:s5+s2], $0x80, v3, vm0, $0xb8;
	[tilespmem:$0x14180] =	vst v63  }
0x8f: {  	_ = 	snop  }
0x90: {  	[tilespmem:s28], [sflag:$0x1] =	stream.indirect_vreg.gather [hbm4b:s6+s2], $0x80, v3, vm0, $0xb8;
	[tilespmem:$0x14180] =	vst v63  }
0x91: {  	_ = 	snop  }
0x92: {  	[tilespmem:s29], [sflag:$0x1] =	stream.indirect_vreg.gather [hbm4b:s7+s2], $0x80, v3, vm0, $0xb8;
	[tilespmem:$0x14180] =	vst v63  }
0x93: {  	_ =	swait.ge [sflag:s30], $0x14000  }
0x94: {  	p0 =	sne.s32 s0, $0x7800;
	s8 =	rddreg [dreg:$0x2];
	[sflag:s30] =	ssyncset.done $0x0  }
.Ltmp0:
0x95: {  	[sflag:s30] =	ssyncadd.s32 $0xFFFEC000;
	s4 =	sadd.s32 s0, s8;
	(pc) =	sbr.rel @p0 .LBB2_2-.Ltmp0, $4  }
0x96: {  	[hbm4b:s4+s2] =	stream.linear.scatter [tilespmem:s10], [sflag:$0x2], $0x14000, $0x38;
	[tilespmem:$0x14180] =	vst v63  }
0x97: {  	_ =	swait.ge [sflag:s9], $0x14000  }
0x98: {  	[sflag:s9] =	ssyncset.done $0x0  }
0x99: {  	s1 =	sadd.s32 $0x50, s1;
	s0 =	sadd.s32 $0x2800, s0;
	[sflag:s9] =	ssyncadd.s32 $0xFFFEC000  }
0x9a: {  	s31 =	sadd.s32 $0x1, s31;
	s0 =	rddreg [dreg:$0x19]  }
0x9b: {  	p0 =	sne.s32 s31, s0  }
.Ltmp1:
0x9c: {  	_ = 	snop;
	(pc) =	sbr.rel @p0 .LBB2_1-.Ltmp1, $1  }
0x9d: {  	_ =	sdelay $0x3  }
0x9e: {  	_ =	sfence.sel $0x180000  }
0x9f: {  	[bflag:$0x0] =	sbarrier.arrive $0xFFFF  }
0xa0: {  	_ =	strace $0x9000004A  }
0xa1: {  	s0 =	stileid.u32;
	[bflag:$0x2] =	sbarrier.arrive $0xFFFF  }
0xa2: {  	p0 =	sne.s32 s0, $0x0;
	s0 =	rddreg [dreg:$0x1]  }
0xa3: {  	s0 =	sadd.s32 @!p0 $0x100000, s0  }
0xa4: {  	[sflag:s0] =	ssyncadd.tile.s32 @!p0 $0x1;
	_ =	shalt  }
.Lfunc_end2:
_tile_overlayer_lowered:
.L_overlay_start_2:
0xa5: {  	(tag) =	ssettag $0x2  }
0xa6: {  	s0 =	rddreg [dreg:$0x0];
	s2 =	stileid.u32  }
0xa7: {  	s1 =	rddreg [dreg:$0x1];
	p0 =	sne.s32 s2, $0x0  }
0xa8: {  	s3 =	rddreg [dreg:$0x2];
	[bflag:$0x3] =	sbarrier.arrive $0xFFFF;
	s2 =	simm.s32 @!p0 $0x1C02  }
0xa9: {  	[timem:s3], [sflag:s2] =	dma.local @!p0 [hbm:s0], s1  }
0xaa: {  	s0 =	simm.s32 @!p0 $0x2  }
0xab: {  	_ =	swait.ge @!p0 [sflag:s0], s1  }
0xac: {  	s1 =	ssub.s32 @!p0 $0x0, s1;
	[sflag:s0] =	ssyncset.done @!p0 $0x0  }
0xad: {  	[sflag:s0] =	ssyncadd.s32 @!p0 s1  }
0xae: {  	[bflag:$0x3] =	sbarrier.arrive $0xFFFF  }
0xaf: {  	_ =	shalt  }

// kernel: kernel.20.cloned.1.call-start
scs
__scs_entry_jumppad:
0x0: {  	(pc) =	sbr.rel $0x88, $3  }
0x1: {  	(tag) =	ssettag $0x0;
	lr =	simm.s32 $0x1  }
0x2: {  	[smem:$0x3F97] =	sst lr;
	_ =	strace $0xD0000000  }
0x3: {  	_ = 	snop  }
0x4: {  	_ = 	snop  }
0x5: {  	_ = 	snop  }
0x6: {  	_ = 	snop  }
0x7: {  	_ = 	snop  }
__scs_overlays_trampoline_lowered:
0x8: {  	[smem:$0x3FA6] =	sst s0  }
0x9: {  	[smem:$0x3FA7] =	sst s1  }
0xa: {  	[smem:$0x3FA8] =	sst s2  }
0xb: {  	[smem:$0x3FA9] =	sst s3  }
0xc: {  	[smem:$0x3FAA] =	sst s4  }
0xd: {  	[smem:$0x3FAB] =	sst s5  }
0xe: {  	[smem:$0x3FAC] =	sst s6  }
0xf: {  	[smem:$0x3FAD] =	sst s7  }
0x10: {  	[smem:$0x3FAE] =	sst s8  }
0x11: {  	[smem:$0x3FAF] =	sst s9;
	s0 =	simm.s32 @!p0 $0x0  }
0x12: {  	s1 =	sld [smem:$0x3F95];
	s0 =	simm.s32 @p0 $0x1  }
0x13: {  	[smem:$0x3FB0] =	sst s0;
	s0 =	simm.s32 @!p1 $0x0  }
0x14: {  	s2 =	sld [smem:$0x3F94];
	s0 =	simm.s32 @p1 $0x1  }
0x15: {  	[smem:$0x3FB1] =	sst s0;
	s0 =	simm.s32 @!p2 $0x0  }
0x16: {  	s3 =	sld [smem:$0x3FDB];
	s0 =	simm.s32 @p2 $0x1  }
0x17: {  	s4 =	simm.s32 $0x1BF5;
	[smem:$0x3FB3] =	sst s0  }
0x18: {  	s0 =	sld [smem:$0x3F96];
	_ =	swait.ge [sflag:s4], $0x0  }
0x19: {  	s7 =	sld [smem:$0x3F97]  }
0x1a: {  	s8 =	sadd.s32 $0xFFFFE003, lr  }
0x1b: {  	s9 =	sadd.s32 $0xFFFFFEF7, lr;
	s5 =	simm.s32 $0xFFFFFFFF;
	p2 =	slt.u32 s8, $0xFFFFF086  }
0x1c: {  	p1 =	slt.u32 s9, $0xF7A;
	s5 =	simm.s32 @!p2 $0x0  }
0x1d: {  	s5 =	simm.s32 @p1 $0x1;
	p0 =	seq.s32 s7, s2  }
0x1e: {  	s7 =	smul.u32 @!p0 $0xF7A, s2;
	p2 =	seq.s32 @!p0 s5, $0x0  }
0x1f: {  	s9 =	smul.u32 $0xF7A, s1;
	s8 =	simm.s32 @!p0 $0x1BF5;
	p2 =	por !p2, p0  }
0x20: {  	[sflag:s8] =	ssyncset.s32 @!p0 $0xFFFFF086;
	s6 =	sadd.s32 @!p0 s3, s7;
	s7 =	simm.s32 @!p0 $0x108  }
0x21: {  	s3 =	sadd.s32 s3, s9;
	s6 =	sadd.s32 @!p0 $0x88, s6;
	s7 =	simm.s32 @p2 $0x1082  }
0x22: {  	[simem:s7], [sflag:s8] =	dma.local @!p0 [hbm:s6], $0xF7A  }
0x23: {  	s9 =	sor.u32 $0xD0000000, s2;
	s6 =	simm.s32 $0x108;
	_ =	swait.ge @!p0 [sflag:s8], $0x0  }
0x24: {  	s3 =	sadd.s32 $0x88, s3;
	s6 =	simm.s32 @!p1 $0x1082;
	[sflag:s4] =	ssyncset.s32 $0xFFFFF086  }
0x25: {  	[simem:s6], [sflag:s4] =	dma.local [hbm:s3], $0xF7A  }
0x26: {  	[smem:$0x3F97] =	sst s1;
	(tag) =	ssettag s2;
	_ =	strace s9  }
0x27: {  	s1 =	sld [smem:$0x3FA7]  }
0x28: {  	s2 =	sld [smem:$0x3FA8]  }
0x29: {  	s4 =	sld [smem:$0x3FAA]  }
0x2a: {  	p0 =	seq.s32 s5, $0x0;
	s5 =	sld [smem:$0x3FAB]  }
0x2b: {  	s6 =	sld [smem:$0x3FAC]  }
0x2c: {  	s7 =	sld [smem:$0x3FAD]  }
0x2d: {  	s3 =	simm.s32 $0x108;
	s8 =	sld [smem:$0x3FAE]  }
0x2e: {  	s3 =	simm.s32 @!p0 $0x1082;
	s9 =	sld [smem:$0x3FAF]  }
0x2f: {  	lr =	sadd.s32 s0, s3;
	s0 =	sld [smem:$0x3FA6]  }
0x30: {  	s3 =	sld [smem:$0x3FA9]  }
0x31: {  	[smem:$0x3FB2] =	sst s10  }
0x32: {  	s10 =	sld [smem:$0x3FB0];
	_ =	sdelay $0x3  }
0x33: {  	p0 =	seq.s32 s10, $0x1;
	s10 =	sld [smem:$0x3FB2];
	_ =	sdelay $0x3  }
0x34: {  	[smem:$0x3FB2] =	sst s10  }
0x35: {  	s10 =	sld [smem:$0x3FB1];
	_ =	sdelay $0x3  }
0x36: {  	p1 =	seq.s32 s10, $0x1;
	s10 =	sld [smem:$0x3FB2];
	_ =	sdelay $0x3  }
0x37: {  	[smem:$0x3FB2] =	sst s10  }
0x38: {  	s10 =	sld [smem:$0x3FB3]  }
0x39: {  	_ = 	snop;
	(pc) =	sbr.ind lr, $3  }
0x3a: {  	_ = 	snop  }
0x3b: {  	_ = 	snop  }
0x3c: {  	p2 =	seq.s32 s10, $0x1;
	s10 =	sld [smem:$0x3FB2]  }
0x3d: {  	_ =	shalt  }
0x3e: {  	_ =	shalt  }
0x3f: {  	_ =	shalt  }
0x40: {  	_ =	shalt  }
0x41: {  	_ =	shalt  }
0x42: {  	_ =	shalt  }
0x43: {  	_ =	shalt  }
0x44: {  	_ =	shalt  }
0x45: {  	_ =	shalt  }
0x46: {  	_ =	shalt  }
0x47: {  	_ =	shalt  }
0x48: {  	_ =	shalt  }
0x49: {  	_ =	shalt  }
0x4a: {  	_ =	shalt  }
0x4b: {  	_ =	shalt  }
0x4c: {  	_ =	shalt  }
0x4d: {  	_ =	shalt  }
0x4e: {  	_ =	shalt  }
0x4f: {  	_ =	shalt  }
0x50: {  	_ =	shalt  }
0x51: {  	_ =	shalt  }
0x52: {  	_ =	shalt  }
0x53: {  	_ =	shalt  }
0x54: {  	_ =	shalt  }
0x55: {  	_ =	shalt  }
0x56: {  	_ =	shalt  }
0x57: {  	_ =	shalt  }
0x58: {  	_ =	shalt  }
0x59: {  	_ =	shalt  }
0x5a: {  	_ =	shalt  }
0x5b: {  	_ =	shalt  }
0x5c: {  	_ =	shalt  }
0x5d: {  	_ =	shalt  }
0x5e: {  	_ =	shalt  }
0x5f: {  	_ =	shalt  }
0x60: {  	_ =	shalt  }
0x61: {  	_ =	shalt  }
0x62: {  	_ =	shalt  }
0x63: {  	_ =	shalt  }
0x64: {  	_ =	shalt  }
0x65: {  	_ =	shalt  }
0x66: {  	_ =	shalt  }
0x67: {  	_ =	shalt  }
0x68: {  	_ =	shalt  }
0x69: {  	_ =	shalt  }
0x6a: {  	_ =	shalt  }
0x6b: {  	_ =	shalt  }
0x6c: {  	_ =	shalt  }
0x6d: {  	_ =	shalt  }
0x6e: {  	_ =	shalt  }
0x6f: {  	_ =	shalt  }
0x70: {  	_ =	shalt  }
0x71: {  	_ =	shalt  }
0x72: {  	_ =	shalt  }
0x73: {  	_ =	shalt  }
0x74: {  	_ =	shalt  }
0x75: {  	_ =	shalt  }
0x76: {  	_ =	shalt  }
0x77: {  	_ =	shalt  }
0x78: {  	_ =	shalt  }
0x79: {  	_ =	shalt  }
0x7a: {  	_ =	shalt  }
0x7b: {  	_ =	shalt  }
0x7c: {  	_ =	shalt  }
0x7d: {  	_ =	shalt  }
0x7e: {  	_ =	shalt  }
0x7f: {  	_ =	shalt  }
0x80: {  	_ =	shalt  }
0x81: {  	_ =	shalt  }
0x82: {  	_ =	shalt  }
0x83: {  	_ =	shalt  }
0x84: {  	_ =	shalt  }
0x85: {  	_ =	shalt  }
0x86: {  	_ =	shalt  }
0x87: {  	_ =	shalt  }
.Lfunc_end0:
.L_simem_size_0:
called_computation.2_lowered:
.L_overlay_start_0:
0x88: {  	s2 =	sld [smem:$0x3FD9]  }
0x89: {  	s3 =	sld [smem:$0x3FFE];
	_ =	sdelay $0x1  }
0x8a: {  	s1 =	srdreg.scid  }
0x8b: {  	s0 =	sand.u32 $0x1, s1  }
0x8c: {  	s17 =	sshll.u32 s0, $0xA;
	s2 =	sadd.s32 s3, s2  }
0x8d: {  	s2 =	sadd.s32 s2, s17  }
0x8e: {  	[smem:$0x3FBE] =	sst s2  }
0x8f: {  	_ = 	snop  }
0x90: {  	(tm) =	ssettm $0x1  }
0x91: {  	s18 =	sld [smem:$0x3FFB];
	_ =	sdelay $0x3  }
0x92: {  	_ =	strace s18  }
0x93: {  	s2 =	sld [smem:$0x3FFC];
	_ =	sdelay $0x3  }
0x94: {  	_ =	strace s2  }
0x95: {  	s2 =	sld [smem:$0x3FFD];
	_ =	sdelay $0x3  }
0x96: {  	_ =	strace s2  }
0x97: {  	_ =	strace $0x8FFFFFFF  }
0x98: {  	s19 =	sld [smem:$0x3FDB];
	_ =	sdelay $0x1  }
0x99: {  	s20 =	simm.s32 $_scs_section_size  }
0x9a: {  	s4 =	simm.s32 $_size__tile_overlayer_lowered;
	s5 =	simm.s32 $_tile_overlayer_lowered  }
0x9b: {  	s6 =	simm.s32 $0x1BFF;
	s21 =	sshll.u32 s5, $0x1;
	s3 =	sadd.s32 s20, s19  }
0x9c: {  	s22 =	simm.s32 $0x0;
	s4 =	sshll.u32 s4, $0x1;
	s5 =	sadd.s32 s21, s3  }
0x9d: {  	[timem:s22], [sflag:s6] =	dma.local [hbm:s5], s4  }
0x9e: {  	_ =	swait.ge [sflag:s6], s4  }
0x9f: {  	s4 =	ssub.s32 $0x0, s4;
	[sflag:s6] =	ssyncset.done $0x0  }
0xa0: {  	[sflag:s6] =	ssyncadd.s32 s4;
	_ =	sdelay $0x1  }
0xa1: {  	s23 =	simm.s32 $0x1B8B  }
0xa2: {  	_ =	swait.ge [sflag:s23], $0x1  }
0xa3: {  	[sflag:s23] =	ssyncset.done $0x0  }
0xa4: {  	[sflag:s23] =	ssyncadd.s32 $0xFFFFFFFF  }
0xa5: {  	s4 =	sld [smem:$0x0]  }
0xa6: {  	s5 =	sand.u32 $0xFFFFFFFE, s1  }
0xa7: {  	p0 =	sne.s32 s1, s5  }
0xa8: {  	s5 =	sshll.u32 @p0 s5, $0xE  }
0xa9: {  	s5 =	sadd.s32 @p0 $0x11B8D, s5;
	s6 =	sshll.u32 @p0 s4, $0x11  }
0xaa: {  	s5 =	sor.u32 @p0 s6, s5  }
0xab: {  	[sflag:s5] =	ssyncadd.remote.s32 @p0 $0x1;
	_ =	sdelay $0x1  }
0xac: {  	s5 =	simm.s32 @p0 $0x1B8D  }
0xad: {  	_ =	swait.eq @p0 [sflag:s5], $0x1  }
0xae: {  	[sflag:s5] =	ssyncadd.s32 @p0 $0xFFFFFFFF  }
0xaf: {  	s6 =	sshll.u32 @!p0 s1, $0xE  }
0xb0: {  	s6 =	sor.u32 @!p0 $0x4000, s6;
	s5 =	simm.s32 @!p0 $0x1B8D  }
0xb1: {  	s4 =	sshll.u32 @!p0 s4, $0x11;
	s6 =	sadd.s32 @!p0 $0x11B8D, s6;
	_ =	swait.eq @!p0 [sflag:s5], $0x1  }
0xb2: {  	s4 =	sor.u32 @!p0 s4, s6;
	[sflag:s5] =	ssyncadd.s32 @!p0 $0xFFFFFFFF  }
0xb3: {  	s25 =	simm.s32 $0x1B8E;
	s24 =	sld [smem:$0x3FFE];
	[sflag:s4] =	ssyncadd.remote.s32 @!p0 $0x1  }
0xb4: {  	s26 =	simm.s32 $execute0_lowered;
	[smem:$0x3FD2] =	sst s25  }
0xb5: {  	s5 =	sshll.u32 s26, $0x1;
	_ =	strace $0x8000004C;
	[dreg:$0x1] =	wrdreg $0xFFFFFFFF  }
0xb6: {  	s28 =	simm.s32 $_size_execute0_lowered;
	s3 =	sadd.s32 s3, s5;
	[dreg:$0x0] =	wrdreg $0x0  }
0xb7: {  	s5 =	sshll.u32 s28, $0x1;
	[dreg:$0x2] =	wrdreg s3  }
0xb8: {  	[dreg:$0x3] =	wrdreg s5  }
0xb9: {  	[dreg:$0x4] =	wrdreg $0xC0  }
0xba: {  	_ =	task [dreg:s22], $0x5FFFF  }
0xbb: {  	[dreg:$0x1] =	wrdreg $0xFFFFFFFF  }
0xbc: {  	[dreg:$0x0] =	wrdreg $0x60  }
0xbd: {  	[dreg:$0x2] =	wrdreg s24  }
0xbe: {  	[dreg:$0x3] =	wrdreg $0xB  }
0xbf: {  	_ =	task.clear_ibuf [dreg:s22], $0x4FFFF;
	_ =	strace $0x9000004C  }
0xc0: {  	s29 =	simm.s32 $0xB;
	_ =	strace $0x8000004E  }
0xc1: {  	_ =	swait.ge [sflag:s29], $0x1  }
0xc2: {  	[sflag:s29] =	ssyncadd.s32 $0xFFFFFFFF  }
0xc3: {  	_ =	strace $0x9000004E  }
0xc4: {  	_ =	sfence  }
0xc5: {  	s30 =	sld [smem:$0x0];
	_ =	sdelay $0x2  }
0xc6: {  	s31 =	sshll.u32 s1, $0xD;
	s1 =	sshrl.u32 s1, $0x2  }
0xc7: {  	s4 =	sand.u32 $0x4000, s31;
	s1 =	sadd.s32 s1, s30  }
0xc8: {  	s0 =	sor.u32 s4, s0;
	s1 =	sshll.u32 s1, $0x11  }
0xc9: {  	s0 =	sor.u32 s1, s0  }
0xca: {  	s0 =	sadd.s32 $0x8F2B, s0  }
0xcb: {  	[sflag:s0] =	ssyncadd.remote.s32 $0x1  }
0xcc: {  	_ =	sfence.sel $0xFFFF  }
0xcd: {  	[dreg:$0x0] =	wrdreg $0xFFFFFFFF;
	(pc) =	sbr.abs _section_cstart, $3  }
0xce: {  	[dreg:$0x1] =	wrdreg $0xFFFFFFFF  }
0xcf: {  	_ =	task.clear_ibuf [dreg:s22], $0x2FFFF;
	_ =	strace $0x9FFFFFFF  }
0xd0: {  	(tm) =	ssettm $0x7FFFFFFF  }
0xd1: {  	_ =	shalt  }
tec
execute0_lowered:
.L_overlay_start_1:
0x0: {  	(tag) =	ssettag $0x1  }
0x1: {  	s7 =	rddreg [dreg:$0x0];
	s2 =	simm.s32 $0x0  }
0x2: {  	s26 =	simm.s32 $0x980;
	[smem:$0x7FF] =	sst s2  }
0x3: {  	s5 =	simm.s32 $0x1980;
	_ =	strace $0x8000004D;
	[dreg:$0x3] =	wrdreg s26  }
0x4: {  	s6 =	simm.s32 $0x2180;
	[dreg:$0x5] =	wrdreg s5  }
0x5: {  	s8 =	simm.s32 $0x2980;
	[dreg:$0x6] =	wrdreg s6  }
0x6: {  	s10 =	simm.s32 $0x3180;
	[dreg:$0x7] =	wrdreg s8  }
0x7: {  	s11 =	simm.s32 $0x3980;
	[dreg:$0x8] =	wrdreg s10  }
0x8: {  	s13 =	simm.s32 $0x4180;
	[dreg:$0x9] =	wrdreg s11  }
0x9: {  	s14 =	simm.s32 $0x4980;
	[dreg:$0xa] =	wrdreg s13  }
0xa: {  	s15 =	simm.s32 $0x5180;
	[dreg:$0xb] =	wrdreg s14  }
0xb: {  	s0 =	srdreg.scid;
	s16 =	simm.s32 $0x5980;
	[dreg:$0xc] =	wrdreg s15  }
0xc: {  	s4 =	stileid.u32;
	s17 =	simm.s32 $0x6180;
	[dreg:$0xd] =	wrdreg s16  }
0xd: {  	s18 =	simm.s32 $0x6980;
	s19 =	simm.s32 $0x7180;
	[dreg:$0xe] =	wrdreg s17  }
0xe: {  	s20 =	simm.s32 $0x7980;
	s21 =	simm.s32 $0x8180;
	[dreg:$0xf] =	wrdreg s18  }
0xf: {  	s22 =	simm.s32 $0x8980;
	s23 =	simm.s32 $0x9180;
	[dreg:$0x10] =	wrdreg s19  }
0x10: {  	s24 =	simm.s32 $0x9980;
	s25 =	simm.s32 $0xA180;
	[dreg:$0x11] =	wrdreg s20  }
0x11: {  	s28 =	simm.s32 $0x13180;
	s29 =	simm.s32 $0x13980;
	[dreg:$0x12] =	wrdreg s21  }
0x12: {  	s30 =	simm.s32 $0x1;
	s31 =	simm.s32 $0x0;
	[dreg:$0x13] =	wrdreg s22  }
0x13: {  	s0 =	sand.u32 $0x1, s0;
	s1 =	smul.u32 $0x14000, s4;
	[dreg:$0x14] =	wrdreg s23  }
0x14: {  	s9 =	sshll.u32 s4, $0x1;
	s3 =	smul.u32 $0xA000, s0;
	[dreg:$0x15] =	wrdreg s24  }
0x15: {  	s6 =	sadd.s32 $0x5000, s7;
	s10 =	simm.s32 $0x180;
	[dreg:$0x16] =	wrdreg s25  }
0x16: {  	s26 =	simm.s32 $0xA980;
	s11 =	simm.s32 $0xB180;
	s13 =	simm.s32 $0xC180  }
0x17: {  	s14 =	simm.s32 $0xC980;
	s15 =	simm.s32 $0xD180;
	s16 =	simm.s32 $0xD980  }
0x18: {  	s17 =	simm.s32 $0xE180;
	s18 =	simm.s32 $0xE980;
	s19 =	simm.s32 $0xF180  }
0x19: {  	s20 =	simm.s32 $0xF980;
	s21 =	simm.s32 $0x10180;
	s22 =	simm.s32 $0x10980  }
0x1a: {  	s23 =	simm.s32 $0x11180;
	s24 =	simm.s32 $0x11980;
	s1 =	sadd.s32 s1, s7  }
0x1b: {  	[dreg:$0x17] =	wrdreg s26;
	s1 =	sadd.s32 s3, s1;
	s3 =	simm.s32 $0x1180  }
0x1c: {  	s25 =	simm.s32 $0x12180;
	[dreg:$0x4] =	wrdreg s3;
	s3 =	sor.u32 s0, s9  }
0x1d: {  	s26 =	simm.s32 $0x12980;
	s0 =	ssub.s32 $0x2, s0;
	s12 =	smul.u32 $0x140, s3  }
0x1e: {  	s1 =	sadd.s32 $0x2A4E00, s1;
	s9 =	simm.s32 $0x2;
	s5 =	sshrl.u32 s0, $0x1  }
0x1f: {  	[dreg:$0x2] =	wrdreg s1;
	s0 =	ssub.s32 s0, s5;
	s4 =	sshrl.u32 s12, $0x3  }
0x20: {  	v2 =	vlaneseq.u32;
	s3 =	sadd.s32 $0x4E00, s7;
	s0 =	smax.u32 s0, $0x1;
	s4 =	sadd.s32 s4, s7  }
0x21: {  	vm0 =	vmmov $0xffff;
	v1 =	vshrl.u32 v2, $0x3;
	s5 =	sadd.s32 $0x4F00, s7;
	[dreg:$0x19] =	wrdreg s0;
	s4 =	sadd.s32 $0x2A4800, s4  }
0x22: {  	v0 =	vand.u32 $0x7, v2;
	v2 =	vor.u32 $0x8, v2;
	v1 =	vmul.u32 $0x8, v1;
	s12 =	simm.s32 $0xB980;
	s7 =	sadd.s32 $0x5100, s7;
	[dreg:$0x18] =	wrdreg s4  }
.LBB2_1:
0x23: {  	s0 =	rddreg [dreg:$0x18]  }
0x24: {  	[tilespmem:s2], [sflag:$0x2] =	stream.linear.gather [hbm4b:s0+s2], $0x140, $0x38;
	[tilespmem:$0x14180] =	vst v63  }
0x25: {  	_ =	swait.ge [sflag:s9], $0x140  }
0x26: {  	[sflag:s9] =	ssyncset.done $0x0  }
0x27: {  	s1 =	simm.s32 $0x20;
	s0 =	simm.s32 $0x0;
	[sflag:s9] =	ssyncadd.s32 $0xFFFFFEC0  }
.LBB2_2:
0x28: {  	v3 =	vld [tilespmem:s1+$0xFFFFFFE0];
	_ =	sdelay $0x4  }
0x29: {  	v4 =	vshll.u32 v3, $0x3  }
0x2a: {  	v3 =	vand.u32 $0x7, v3;
	v4 =	vand.u32 $0xFFFFFFC0, v4  }
0x2b: {  	v3 =	vor.u32 v3, v4  }
0x2c: {  	v4 =	vperm.xlane v3, v0;
	_ =	sdelay $0x1  }
0x2d: {  	v4 =	vadd.s32 v1, v4;
	_ =	sdelay $0x4  }
0x2e: {  	[tilespmem:s10], [sflag:$0x1] =	stream.indirect_vreg.gather [hbm4b:s3+s2], $0x80, v4, vm0, $0xb8;
	[tilespmem:$0x14180] =	vst v63  }
0x2f: {  	s4 =	rddreg [dreg:$0x3];
	v3 =	vperm.xlane v3, v2  }
0x30: {  	[tilespmem:s4], [sflag:$0x1] =	stream.indirect_vreg.gather [hbm4b:s5+s2], $0x80, v4, vm0, $0xb8;
	[tilespmem:$0x14180] =	vst v63  }
0x31: {  	s8 =	rddreg [dreg:$0x4];
	v3 =	vadd.s32 v1, v3  }
0x32: {  	[tilespmem:s8], [sflag:$0x1] =	stream.indirect_vreg.gather [hbm4b:s6+s2], $0x80, v4, vm0, $0xb8;
	[tilespmem:$0x14180] =	vst v63  }
0x33: {  	s4 =	rddreg [dreg:$0x5]  }
0x34: {  	[tilespmem:s4], [sflag:$0x1] =	stream.indirect_vreg.gather [hbm4b:s7+s2], $0x80, v4, vm0, $0xb8;
	[tilespmem:$0x14180] =	vst v63  }
0x35: {  	s8 =	rddreg [dreg:$0x6]  }
0x36: {  	[tilespmem:s8], [sflag:$0x1] =	stream.indirect_vreg.gather [hbm4b:s3+s2], $0x80, v3, vm0, $0xb8;
	[tilespmem:$0x14180] =	vst v63  }
0x37: {  	s4 =	rddreg [dreg:$0x7]  }
0x38: {  	[tilespmem:s4], [sflag:$0x1] =	stream.indirect_vreg.gather [hbm4b:s5+s2], $0x80, v3, vm0, $0xb8;
	[tilespmem:$0x14180] =	vst v63  }
0x39: {  	s8 =	rddreg [dreg:$0x8]  }
0x3a: {  	[tilespmem:s8], [sflag:$0x1] =	stream.indirect_vreg.gather [hbm4b:s6+s2], $0x80, v3, vm0, $0xb8;
	[tilespmem:$0x14180] =	vst v63  }
0x3b: {  	s4 =	rddreg [dreg:$0x9]  }
0x3c: {  	[tilespmem:s4], [sflag:$0x1] =	stream.indirect_vreg.gather [hbm4b:s7+s2], $0x80, v3, vm0, $0xb8;
	[tilespmem:$0x14180] =	vst v63  }
0x3d: {  	v3 =	vld [tilespmem:s1+$0xFFFFFFF0];
	_ =	sdelay $0x4  }
0x3e: {  	v60 =	vshll.u32 v3, $0x3  }
0x3f: {  	v3 =	vand.u32 $0x7, v3;
	v4 =	vand.u32 $0xFFFFFFC0, v60  }
0x40: {  	v3 =	vor.u32 v3, v4  }
0x41: {  	v4 =	vperm.xlane v3, v0;
	_ =	sdelay $0x1  }
0x42: {  	v4 =	vadd.s32 v1, v4;
	_ =	sdelay $0x3  }
0x43: {  	s4 =	rddreg [dreg:$0xa]  }
0x44: {  	[tilespmem:s4], [sflag:$0x1] =	stream.indirect_vreg.gather [hbm4b:s3+s2], $0x80, v4, vm0, $0xb8;
	[tilespmem:$0x14180] =	vst v63  }
0x45: {  	s8 =	rddreg [dreg:$0xb];
	v3 =	vperm.xlane v3, v2  }
0x46: {  	[tilespmem:s8], [sflag:$0x1] =	stream.indirect_vreg.gather [hbm4b:s5+s2], $0x80, v4, vm0, $0xb8;
	[tilespmem:$0x14180] =	vst v63  }
0x47: {  	v3 =	vadd.s32 v1, v3;
	s4 =	rddreg [dreg:$0xc]  }
0x48: {  	[tilespmem:s4], [sflag:$0x1] =	stream.indirect_vreg.gather [hbm4b:s6+s2], $0x80, v4, vm0, $0xb8;
	[tilespmem:$0x14180] =	vst v63  }
0x49: {  	s8 =	rddreg [dreg:$0xd]  }
0x4a: {  	[tilespmem:s8], [sflag:$0x1] =	stream.indirect_vreg.gather [hbm4b:s7+s2], $0x80, v4, vm0, $0xb8;
	[tilespmem:$0x14180] =	vst v63  }
0x4b: {  	s4 =	rddreg [dreg:$0xe]  }
0x4c: {  	[tilespmem:s4], [sflag:$0x1] =	stream.indirect_vreg.gather [hbm4b:s3+s2], $0x80, v3, vm0, $0xb8;
	[tilespmem:$0x14180] =	vst v63  }
0x4d: {  	s8 =	rddreg [dreg:$0xf]  }
0x4e: {  	[tilespmem:s8], [sflag:$0x1] =	stream.indirect_vreg.gather [hbm4b:s5+s2], $0x80, v3, vm0, $0xb8;
	[tilespmem:$0x14180] =	vst v63  }
0x4f: {  	s4 =	rddreg [dreg:$0x10]  }
0x50: {  	[tilespmem:s4], [sflag:$0x1] =	stream.indirect_vreg.gather [hbm4b:s6+s2], $0x80, v3, vm0, $0xb8;
	[tilespmem:$0x14180] =	vst v63  }
0x51: {  	s8 =	rddreg [dreg:$0x11]  }
0x52: {  	[tilespmem:s8], [sflag:$0x1] =	stream.indirect_vreg.gather [hbm4b:s7+s2], $0x80, v3, vm0, $0xb8;
	[tilespmem:$0x14180] =	vst v63  }
0x53: {  	v3 =	vld [tilespmem:s1+$0x0];
	_ =	sdelay $0x4  }
0x54: {  	v61 =	vshll.u32 v3, $0x3  }
0x55: {  	v3 =	vand.u32 $0x7, v3;
	v4 =	vand.u32 $0xFFFFFFC0, v61  }
0x56: {  	v3 =	vor.u32 v3, v4  }
0x57: {  	v4 =	vperm.xlane v3, v0;
	_ =	sdelay $0x1  }
0x58: {  	v4 =	vadd.s32 v1, v4;
	_ =	sdelay $0x3  }
0x59: {  	s4 =	rddreg [dreg:$0x12]  }
0x5a: {  	[tilespmem:s4], [sflag:$0x1] =	stream.indirect_vreg.gather [hbm4b:s3+s2], $0x80, v4, vm0, $0xb8;
	[tilespmem:$0x14180] =	vst v63  }
0x5b: {  	s8 =	rddreg [dreg:$0x13];
	v3 =	vperm.xlane v3, v2  }
0x5c: {  	[tilespmem:s8], [sflag:$0x1] =	stream.indirect_vreg.gather [hbm4b:s5+s2], $0x80, v4, vm0, $0xb8;
	[tilespmem:$0x14180] =	vst v63  }
0x5d: {  	v3 =	vadd.s32 v1, v3;
	s4 =	rddreg [dreg:$0x14]  }
0x5e: {  	[tilespmem:s4], [sflag:$0x1] =	stream.indirect_vreg.gather [hbm4b:s6+s2], $0x80, v4, vm0, $0xb8;
	[tilespmem:$0x14180] =	vst v63  }
0x5f: {  	s8 =	rddreg [dreg:$0x15]  }
0x60: {  	[tilespmem:s8], [sflag:$0x1] =	stream.indirect_vreg.gather [hbm4b:s7+s2], $0x80, v4, vm0, $0xb8;
	[tilespmem:$0x14180] =	vst v63  }
0x61: {  	s4 =	rddreg [dreg:$0x16]  }
0x62: {  	[tilespmem:s4], [sflag:$0x1] =	stream.indirect_vreg.gather [hbm4b:s3+s2], $0x80, v3, vm0, $0xb8;
	[tilespmem:$0x14180] =	vst v63  }
0x63: {  	s8 =	rddreg [dreg:$0x17]  }
0x64: {  	[tilespmem:s8], [sflag:$0x1] =	stream.indirect_vreg.gather [hbm4b:s5+s2], $0x80, v3, vm0, $0xb8;
	[tilespmem:$0x14180] =	vst v63  }
0x65: {  	_ = 	snop  }
0x66: {  	[tilespmem:s11], [sflag:$0x1] =	stream.indirect_vreg.gather [hbm4b:s6+s2], $0x80, v3, vm0, $0xb8;
	[tilespmem:$0x14180] =	vst v63  }
0x67: {  	_ = 	snop  }
0x68: {  	[tilespmem:s12], [sflag:$0x1] =	stream.indirect_vreg.gather [hbm4b:s7+s2], $0x80, v3, vm0, $0xb8;
	[tilespmem:$0x14180] =	vst v63  }
0x69: {  	v3 =	vld [tilespmem:s1+$0x10];
	_ =	sdelay $0x4  }
0x6a: {  	v62 =	vshll.u32 v3, $0x3  }
0x6b: {  	v3 =	vand.u32 $0x7, v3;
	v4 =	vand.u32 $0xFFFFFFC0, v62  }
0x6c: {  	v3 =	vor.u32 v3, v4  }
0x6d: {  	v4 =	vperm.xlane v3, v0;
	_ =	sdelay $0x1  }
0x6e: {  	v4 =	vadd.s32 v1, v4;
	_ =	sdelay $0x4  }
0x6f: {  	[tilespmem:s13], [sflag:$0x1] =	stream.indirect_vreg.gather [hbm4b:s3+s2], $0x80, v4, vm0, $0xb8;
	[tilespmem:$0x14180] =	vst v63  }
0x70: {  	v3 =	vperm.xlane v3, v2  }
0x71: {  	[tilespmem:s14], [sflag:$0x1] =	stream.indirect_vreg.gather [hbm4b:s5+s2], $0x80, v4, vm0, $0xb8;
	[tilespmem:$0x14180] =	vst v63  }
0x72: {  	v3 =	vadd.s32 v1, v3  }
0x73: {  	[tilespmem:s15], [sflag:$0x1] =	stream.indirect_vreg.gather [hbm4b:s6+s2], $0x80, v4, vm0, $0xb8;
	[tilespmem:$0x14180] =	vst v63  }
0x74: {  	_ = 	snop  }
0x75: {  	[tilespmem:s16], [sflag:$0x1] =	stream.indirect_vreg.gather [hbm4b:s7+s2], $0x80, v4, vm0, $0xb8;
	[tilespmem:$0x14180] =	vst v63  }
0x76: {  	_ = 	snop  }
0x77: {  	[tilespmem:s17], [sflag:$0x1] =	stream.indirect_vreg.gather [hbm4b:s3+s2], $0x80, v3, vm0, $0xb8;
	[tilespmem:$0x14180] =	vst v63  }
0x78: {  	_ = 	snop  }
0x79: {  	[tilespmem:s18], [sflag:$0x1] =	stream.indirect_vreg.gather [hbm4b:s5+s2], $0x80, v3, vm0, $0xb8;
	[tilespmem:$0x14180] =	vst v63  }
0x7a: {  	_ = 	snop  }
0x7b: {  	[tilespmem:s19], [sflag:$0x1] =	stream.indirect_vreg.gather [hbm4b:s6+s2], $0x80, v3, vm0, $0xb8;
	[tilespmem:$0x14180] =	vst v63  }
0x7c: {  	_ = 	snop  }
0x7d: {  	[tilespmem:s20], [sflag:$0x1] =	stream.indirect_vreg.gather [hbm4b:s7+s2], $0x80, v3, vm0, $0xb8;
	[tilespmem:$0x14180] =	vst v63  }
0x7e: {  	v3 =	vld [tilespmem:s1+$0x20];
	_ =	sdelay $0x4  }
0x7f: {  	v63 =	vshll.u32 v3, $0x3  }
0x80: {  	v3 =	vand.u32 $0x7, v3;
	v4 =	vand.u32 $0xFFFFFFC0, v63  }
0x81: {  	v3 =	vor.u32 v3, v4  }
0x82: {  	v4 =	vperm.xlane v3, v0;
	_ =	sdelay $0x1  }
0x83: {  	v4 =	vadd.s32 v1, v4;
	_ =	sdelay $0x4  }
0x84: {  	[tilespmem:s21], [sflag:$0x1] =	stream.indirect_vreg.gather [hbm4b:s3+s2], $0x80, v4, vm0, $0xb8;
	[tilespmem:$0x14180] =	vst v63  }
0x85: {  	v3 =	vperm.xlane v3, v2  }
0x86: {  	[tilespmem:s22], [sflag:$0x1] =	stream.indirect_vreg.gather [hbm4b:s5+s2], $0x80, v4, vm0, $0xb8;
	[tilespmem:$0x14180] =	vst v63  }
0x87: {  	v3 =	vadd.s32 v1, v3  }
0x88: {  	[tilespmem:s23], [sflag:$0x1] =	stream.indirect_vreg.gather [hbm4b:s6+s2], $0x80, v4, vm0, $0xb8;
	[tilespmem:$0x14180] =	vst v63  }
0x89: {  	_ = 	snop  }
0x8a: {  	[tilespmem:s24], [sflag:$0x1] =	stream.indirect_vreg.gather [hbm4b:s7+s2], $0x80, v4, vm0, $0xb8;
	[tilespmem:$0x14180] =	vst v63  }
0x8b: {  	_ = 	snop  }
0x8c: {  	[tilespmem:s25], [sflag:$0x1] =	stream.indirect_vreg.gather [hbm4b:s3+s2], $0x80, v3, vm0, $0xb8;
	[tilespmem:$0x14180] =	vst v63  }
0x8d: {  	_ = 	snop  }
0x8e: {  	[tilespmem:s26], [sflag:$0x1] =	stream.indirect_vreg.gather [hbm4b:s5+s2], $0x80, v3, vm0, $0xb8;
	[tilespmem:$0x14180] =	vst v63  }
0x8f: {  	_ = 	snop  }
0x90: {  	[tilespmem:s28], [sflag:$0x1] =	stream.indirect_vreg.gather [hbm4b:s6+s2], $0x80, v3, vm0, $0xb8;
	[tilespmem:$0x14180] =	vst v63  }
0x91: {  	_ = 	snop  }
0x92: {  	[tilespmem:s29], [sflag:$0x1] =	stream.indirect_vreg.gather [hbm4b:s7+s2], $0x80, v3, vm0, $0xb8;
	[tilespmem:$0x14180] =	vst v63  }
0x93: {  	_ =	swait.ge [sflag:s30], $0x14000  }
0x94: {  	p0 =	sne.s32 s0, $0x7800;
	s8 =	rddreg [dreg:$0x2];
	[sflag:s30] =	ssyncset.done $0x0  }
.Ltmp0:
0x95: {  	[sflag:s30] =	ssyncadd.s32 $0xFFFEC000;
	s4 =	sadd.s32 s0, s8;
	(pc) =	sbr.rel @p0 .LBB2_2-.Ltmp0, $4  }
0x96: {  	[hbm4b:s4+s2] =	stream.linear.scatter [tilespmem:s10], [sflag:$0x2], $0x14000, $0x38;
	[tilespmem:$0x14180] =	vst v63  }
0x97: {  	_ =	swait.ge [sflag:s9], $0x14000  }
0x98: {  	[sflag:s9] =	ssyncset.done $0x0  }
0x99: {  	s1 =	sadd.s32 $0x50, s1;
	s0 =	sadd.s32 $0x2800, s0;
	[sflag:s9] =	ssyncadd.s32 $0xFFFEC000  }
0x9a: {  	s31 =	sadd.s32 $0x1, s31;
	s0 =	rddreg [dreg:$0x19]  }
0x9b: {  	p0 =	sne.s32 s31, s0  }
.Ltmp1:
0x9c: {  	_ = 	snop;
	(pc) =	sbr.rel @p0 .LBB2_1-.Ltmp1, $1  }
0x9d: {  	_ =	sdelay $0x3  }
0x9e: {  	_ =	sfence.sel $0x180000  }
0x9f: {  	[bflag:$0x0] =	sbarrier.arrive $0xFFFF  }
0xa0: {  	_ =	strace $0x9000004D  }
0xa1: {  	s0 =	stileid.u32;
	[bflag:$0x2] =	sbarrier.arrive $0xFFFF  }
0xa2: {  	p0 =	sne.s32 s0, $0x0;
	s0 =	rddreg [dreg:$0x1]  }
0xa3: {  	s0 =	sadd.s32 @!p0 $0x100000, s0  }
0xa4: {  	[sflag:s0] =	ssyncadd.tile.s32 @!p0 $0x1;
	_ =	shalt  }
.Lfunc_end2:
_tile_overlayer_lowered:
.L_overlay_start_2:
0xa5: {  	(tag) =	ssettag $0x2  }
0xa6: {  	s0 =	rddreg [dreg:$0x0];
	s2 =	stileid.u32  }
0xa7: {  	s1 =	rddreg [dreg:$0x1];
	p0 =	sne.s32 s2, $0x0  }
0xa8: {  	s3 =	rddreg [dreg:$0x2];
	[bflag:$0x3] =	sbarrier.arrive $0xFFFF;
	s2 =	simm.s32 @!p0 $0x1C02  }
0xa9: {  	[timem:s3], [sflag:s2] =	dma.local @!p0 [hbm:s0], s1  }
0xaa: {  	s0 =	simm.s32 @!p0 $0x2  }
0xab: {  	_ =	swait.ge @!p0 [sflag:s0], s1  }
0xac: {  	s1 =	ssub.s32 @!p0 $0x0, s1;
	[sflag:s0] =	ssyncset.done @!p0 $0x0  }
0xad: {  	[sflag:s0] =	ssyncadd.s32 @!p0 s1  }
0xae: {  	[bflag:$0x3] =	sbarrier.arrive $0xFFFF  }
0xaf: {  	_ =	shalt  }

// kernel: kernel.23.cloned.1.call-start
scs
__scs_entry_jumppad:
0x0: {  	(pc) =	sbr.rel $0x88, $3  }
0x1: {  	(tag) =	ssettag $0x0;
	lr =	simm.s32 $0x1  }
0x2: {  	[smem:$0x3F97] =	sst lr;
	_ =	strace $0xD0000000  }
0x3: {  	_ = 	snop  }
0x4: {  	_ = 	snop  }
0x5: {  	_ = 	snop  }
0x6: {  	_ = 	snop  }
0x7: {  	_ = 	snop  }
__scs_overlays_trampoline_lowered:
0x8: {  	[smem:$0x3FA6] =	sst s0  }
0x9: {  	[smem:$0x3FA7] =	sst s1  }
0xa: {  	[smem:$0x3FA8] =	sst s2  }
0xb: {  	[smem:$0x3FA9] =	sst s3  }
0xc: {  	[smem:$0x3FAA] =	sst s4  }
0xd: {  	[smem:$0x3FAB] =	sst s5  }
0xe: {  	[smem:$0x3FAC] =	sst s6  }
0xf: {  	[smem:$0x3FAD] =	sst s7  }
0x10: {  	[smem:$0x3FAE] =	sst s8  }
0x11: {  	[smem:$0x3FAF] =	sst s9;
	s0 =	simm.s32 @!p0 $0x0  }
0x12: {  	s1 =	sld [smem:$0x3F95];
	s0 =	simm.s32 @p0 $0x1  }
0x13: {  	[smem:$0x3FB0] =	sst s0;
	s0 =	simm.s32 @!p1 $0x0  }
0x14: {  	s2 =	sld [smem:$0x3F94];
	s0 =	simm.s32 @p1 $0x1  }
0x15: {  	[smem:$0x3FB1] =	sst s0;
	s0 =	simm.s32 @!p2 $0x0  }
0x16: {  	s3 =	sld [smem:$0x3FDB];
	s0 =	simm.s32 @p2 $0x1  }
0x17: {  	s4 =	simm.s32 $0x1BF5;
	[smem:$0x3FB3] =	sst s0  }
0x18: {  	s0 =	sld [smem:$0x3F96];
	_ =	swait.ge [sflag:s4], $0x0  }
0x19: {  	s7 =	sld [smem:$0x3F97]  }
0x1a: {  	s8 =	sadd.s32 $0xFFFFE003, lr  }
0x1b: {  	s9 =	sadd.s32 $0xFFFFFEF7, lr;
	s5 =	simm.s32 $0xFFFFFFFF;
	p2 =	slt.u32 s8, $0xFFFFF086  }
0x1c: {  	p1 =	slt.u32 s9, $0xF7A;
	s5 =	simm.s32 @!p2 $0x0  }
0x1d: {  	s5 =	simm.s32 @p1 $0x1;
	p0 =	seq.s32 s7, s2  }
0x1e: {  	s7 =	smul.u32 @!p0 $0xF7A, s2;
	p2 =	seq.s32 @!p0 s5, $0x0  }
0x1f: {  	s9 =	smul.u32 $0xF7A, s1;
	s8 =	simm.s32 @!p0 $0x1BF5;
	p2 =	por !p2, p0  }
0x20: {  	[sflag:s8] =	ssyncset.s32 @!p0 $0xFFFFF086;
	s6 =	sadd.s32 @!p0 s3, s7;
	s7 =	simm.s32 @!p0 $0x108  }
0x21: {  	s3 =	sadd.s32 s3, s9;
	s6 =	sadd.s32 @!p0 $0x88, s6;
	s7 =	simm.s32 @p2 $0x1082  }
0x22: {  	[simem:s7], [sflag:s8] =	dma.local @!p0 [hbm:s6], $0xF7A  }
0x23: {  	s9 =	sor.u32 $0xD0000000, s2;
	s6 =	simm.s32 $0x108;
	_ =	swait.ge @!p0 [sflag:s8], $0x0  }
0x24: {  	s3 =	sadd.s32 $0x88, s3;
	s6 =	simm.s32 @!p1 $0x1082;
	[sflag:s4] =	ssyncset.s32 $0xFFFFF086  }
0x25: {  	[simem:s6], [sflag:s4] =	dma.local [hbm:s3], $0xF7A  }
0x26: {  	[smem:$0x3F97] =	sst s1;
	(tag) =	ssettag s2;
	_ =	strace s9  }
0x27: {  	s1 =	sld [smem:$0x3FA7]  }
0x28: {  	s2 =	sld [smem:$0x3FA8]  }
0x29: {  	s4 =	sld [smem:$0x3FAA]  }
0x2a: {  	p0 =	seq.s32 s5, $0x0;
	s5 =	sld [smem:$0x3FAB]  }
0x2b: {  	s6 =	sld [smem:$0x3FAC]  }
0x2c: {  	s7 =	sld [smem:$0x3FAD]  }
0x2d: {  	s3 =	simm.s32 $0x108;
	s8 =	sld [smem:$0x3FAE]  }
0x2e: {  	s3 =	simm.s32 @!p0 $0x1082;
	s9 =	sld [smem:$0x3FAF]  }
0x2f: {  	lr =	sadd.s32 s0, s3;
	s0 =	sld [smem:$0x3FA6]  }
0x30: {  	s3 =	sld [smem:$0x3FA9]  }
0x31: {  	[smem:$0x3FB2] =	sst s10  }
0x32: {  	s10 =	sld [smem:$0x3FB0];
	_ =	sdelay $0x3  }
0x33: {  	p0 =	seq.s32 s10, $0x1;
	s10 =	sld [smem:$0x3FB2];
	_ =	sdelay $0x3  }
0x34: {  	[smem:$0x3FB2] =	sst s10  }
0x35: {  	s10 =	sld [smem:$0x3FB1];
	_ =	sdelay $0x3  }
0x36: {  	p1 =	seq.s32 s10, $0x1;
	s10 =	sld [smem:$0x3FB2];
	_ =	sdelay $0x3  }
0x37: {  	[smem:$0x3FB2] =	sst s10  }
0x38: {  	s10 =	sld [smem:$0x3FB3]  }
0x39: {  	_ = 	snop;
	(pc) =	sbr.ind lr, $3  }
0x3a: {  	_ = 	snop  }
0x3b: {  	_ = 	snop  }
0x3c: {  	p2 =	seq.s32 s10, $0x1;
	s10 =	sld [smem:$0x3FB2]  }
0x3d: {  	_ =	shalt  }
0x3e: {  	_ =	shalt  }
0x3f: {  	_ =	shalt  }
0x40: {  	_ =	shalt  }
0x41: {  	_ =	shalt  }
0x42: {  	_ =	shalt  }
0x43: {  	_ =	shalt  }
0x44: {  	_ =	shalt  }
0x45: {  	_ =	shalt  }
0x46: {  	_ =	shalt  }
0x47: {  	_ =	shalt  }
0x48: {  	_ =	shalt  }
0x49: {  	_ =	shalt  }
0x4a: {  	_ =	shalt  }
0x4b: {  	_ =	shalt  }
0x4c: {  	_ =	shalt  }
0x4d: {  	_ =	shalt  }
0x4e: {  	_ =	shalt  }
0x4f: {  	_ =	shalt  }
0x50: {  	_ =	shalt  }
0x51: {  	_ =	shalt  }
0x52: {  	_ =	shalt  }
0x53: {  	_ =	shalt  }
0x54: {  	_ =	shalt  }
0x55: {  	_ =	shalt  }
0x56: {  	_ =	shalt  }
0x57: {  	_ =	shalt  }
0x58: {  	_ =	shalt  }
0x59: {  	_ =	shalt  }
0x5a: {  	_ =	shalt  }
0x5b: {  	_ =	shalt  }
0x5c: {  	_ =	shalt  }
0x5d: {  	_ =	shalt  }
0x5e: {  	_ =	shalt  }
0x5f: {  	_ =	shalt  }
0x60: {  	_ =	shalt  }
0x61: {  	_ =	shalt  }
0x62: {  	_ =	shalt  }
0x63: {  	_ =	shalt  }
0x64: {  	_ =	shalt  }
0x65: {  	_ =	shalt  }
0x66: {  	_ =	shalt  }
0x67: {  	_ =	shalt  }
0x68: {  	_ =	shalt  }
0x69: {  	_ =	shalt  }
0x6a: {  	_ =	shalt  }
0x6b: {  	_ =	shalt  }
0x6c: {  	_ =	shalt  }
0x6d: {  	_ =	shalt  }
0x6e: {  	_ =	shalt  }
0x6f: {  	_ =	shalt  }
0x70: {  	_ =	shalt  }
0x71: {  	_ =	shalt  }
0x72: {  	_ =	shalt  }
0x73: {  	_ =	shalt  }
0x74: {  	_ =	shalt  }
0x75: {  	_ =	shalt  }
0x76: {  	_ =	shalt  }
0x77: {  	_ =	shalt  }
0x78: {  	_ =	shalt  }
0x79: {  	_ =	shalt  }
0x7a: {  	_ =	shalt  }
0x7b: {  	_ =	shalt  }
0x7c: {  	_ =	shalt  }
0x7d: {  	_ =	shalt  }
0x7e: {  	_ =	shalt  }
0x7f: {  	_ =	shalt  }
0x80: {  	_ =	shalt  }
0x81: {  	_ =	shalt  }
0x82: {  	_ =	shalt  }
0x83: {  	_ =	shalt  }
0x84: {  	_ =	shalt  }
0x85: {  	_ =	shalt  }
0x86: {  	_ =	shalt  }
0x87: {  	_ =	shalt  }
.Lfunc_end0:
.L_simem_size_0:
called_computation.3_lowered:
.L_overlay_start_0:
0x88: {  	s2 =	sld [smem:$0x3FD9]  }
0x89: {  	s3 =	sld [smem:$0x3FFE];
	_ =	sdelay $0x1  }
0x8a: {  	s1 =	srdreg.scid  }
0x8b: {  	s0 =	sand.u32 $0x1, s1  }
0x8c: {  	s17 =	sshll.u32 s0, $0xA;
	s2 =	sadd.s32 s3, s2  }
0x8d: {  	s2 =	sadd.s32 s2, s17  }
0x8e: {  	[smem:$0x3FBE] =	sst s2  }
0x8f: {  	_ = 	snop  }
0x90: {  	(tm) =	ssettm $0x1  }
0x91: {  	s18 =	sld [smem:$0x3FFB];
	_ =	sdelay $0x3  }
0x92: {  	_ =	strace s18  }
0x93: {  	s2 =	sld [smem:$0x3FFC];
	_ =	sdelay $0x3  }
0x94: {  	_ =	strace s2  }
0x95: {  	s2 =	sld [smem:$0x3FFD];
	_ =	sdelay $0x3  }
0x96: {  	_ =	strace s2  }
0x97: {  	_ =	strace $0x8FFFFFFF  }
0x98: {  	s19 =	sld [smem:$0x3FDB];
	_ =	sdelay $0x1  }
0x99: {  	s20 =	simm.s32 $_scs_section_size  }
0x9a: {  	s4 =	simm.s32 $_size__tile_overlayer_lowered;
	s5 =	simm.s32 $_tile_overlayer_lowered  }
0x9b: {  	s6 =	simm.s32 $0x1BFF;
	s21 =	sshll.u32 s5, $0x1;
	s3 =	sadd.s32 s20, s19  }
0x9c: {  	s22 =	simm.s32 $0x0;
	s4 =	sshll.u32 s4, $0x1;
	s5 =	sadd.s32 s21, s3  }
0x9d: {  	[timem:s22], [sflag:s6] =	dma.local [hbm:s5], s4  }
0x9e: {  	_ =	swait.ge [sflag:s6], s4  }
0x9f: {  	s4 =	ssub.s32 $0x0, s4;
	[sflag:s6] =	ssyncset.done $0x0  }
0xa0: {  	[sflag:s6] =	ssyncadd.s32 s4;
	_ =	sdelay $0x1  }
0xa1: {  	s23 =	simm.s32 $0x1B8B  }
0xa2: {  	_ =	swait.ge [sflag:s23], $0x1  }
0xa3: {  	[sflag:s23] =	ssyncset.done $0x0  }
0xa4: {  	[sflag:s23] =	ssyncadd.s32 $0xFFFFFFFF  }
0xa5: {  	s4 =	sld [smem:$0x0]  }
0xa6: {  	s5 =	sand.u32 $0xFFFFFFFE, s1  }
0xa7: {  	p0 =	sne.s32 s1, s5  }
0xa8: {  	s5 =	sshll.u32 @p0 s5, $0xE  }
0xa9: {  	s5 =	sadd.s32 @p0 $0x11B8D, s5;
	s6 =	sshll.u32 @p0 s4, $0x11  }
0xaa: {  	s5 =	sor.u32 @p0 s6, s5  }
0xab: {  	[sflag:s5] =	ssyncadd.remote.s32 @p0 $0x1;
	_ =	sdelay $0x1  }
0xac: {  	s5 =	simm.s32 @p0 $0x1B8D  }
0xad: {  	_ =	swait.eq @p0 [sflag:s5], $0x1  }
0xae: {  	[sflag:s5] =	ssyncadd.s32 @p0 $0xFFFFFFFF  }
0xaf: {  	s6 =	sshll.u32 @!p0 s1, $0xE  }
0xb0: {  	s6 =	sor.u32 @!p0 $0x4000, s6;
	s5 =	simm.s32 @!p0 $0x1B8D  }
0xb1: {  	s4 =	sshll.u32 @!p0 s4, $0x11;
	s6 =	sadd.s32 @!p0 $0x11B8D, s6;
	_ =	swait.eq @!p0 [sflag:s5], $0x1  }
0xb2: {  	s4 =	sor.u32 @!p0 s4, s6;
	[sflag:s5] =	ssyncadd.s32 @!p0 $0xFFFFFFFF  }
0xb3: {  	s25 =	simm.s32 $0x1B8E;
	s24 =	sld [smem:$0x3FFE];
	[sflag:s4] =	ssyncadd.remote.s32 @!p0 $0x1  }
0xb4: {  	s26 =	simm.s32 $execute0_lowered;
	[smem:$0x3FD2] =	sst s25  }
0xb5: {  	s5 =	sshll.u32 s26, $0x1;
	_ =	strace $0x8000004F;
	[dreg:$0x1] =	wrdreg $0xFFFFFFFF  }
0xb6: {  	s28 =	simm.s32 $_size_execute0_lowered;
	s3 =	sadd.s32 s3, s5;
	[dreg:$0x0] =	wrdreg $0x0  }
0xb7: {  	s5 =	sshll.u32 s28, $0x1;
	[dreg:$0x2] =	wrdreg s3  }
0xb8: {  	[dreg:$0x3] =	wrdreg s5  }
0xb9: {  	[dreg:$0x4] =	wrdreg $0xC0  }
0xba: {  	_ =	task [dreg:s22], $0x5FFFF  }
0xbb: {  	[dreg:$0x1] =	wrdreg $0xFFFFFFFF  }
0xbc: {  	[dreg:$0x0] =	wrdreg $0x60  }
0xbd: {  	[dreg:$0x2] =	wrdreg s24  }
0xbe: {  	[dreg:$0x3] =	wrdreg $0xC  }
0xbf: {  	_ =	task.clear_ibuf [dreg:s22], $0x4FFFF;
	_ =	strace $0x9000004F  }
0xc0: {  	s29 =	simm.s32 $0xC;
	_ =	strace $0x80000051  }
0xc1: {  	_ =	swait.ge [sflag:s29], $0x1  }
0xc2: {  	[sflag:s29] =	ssyncadd.s32 $0xFFFFFFFF  }
0xc3: {  	_ =	strace $0x90000051  }
0xc4: {  	_ =	sfence  }
0xc5: {  	s30 =	sld [smem:$0x0];
	_ =	sdelay $0x2  }
0xc6: {  	s31 =	sshll.u32 s1, $0xD;
	s1 =	sshrl.u32 s1, $0x2  }
0xc7: {  	s4 =	sand.u32 $0x4000, s31;
	s1 =	sadd.s32 s1, s30  }
0xc8: {  	s0 =	sor.u32 s4, s0;
	s1 =	sshll.u32 s1, $0x11  }
0xc9: {  	s0 =	sor.u32 s1, s0  }
0xca: {  	s0 =	sadd.s32 $0x8F2B, s0  }
0xcb: {  	[sflag:s0] =	ssyncadd.remote.s32 $0x1  }
0xcc: {  	_ =	sfence.sel $0xFFFF  }
0xcd: {  	[dreg:$0x0] =	wrdreg $0xFFFFFFFF;
	(pc) =	sbr.abs _section_cstart, $3  }
0xce: {  	[dreg:$0x1] =	wrdreg $0xFFFFFFFF  }
0xcf: {  	_ =	task.clear_ibuf [dreg:s22], $0x2FFFF;
	_ =	strace $0x9FFFFFFF  }
0xd0: {  	(tm) =	ssettm $0x7FFFFFFF  }
0xd1: {  	_ =	shalt  }
tec
execute0_lowered:
.L_overlay_start_1:
0x0: {  	(tag) =	ssettag $0x1  }
0x1: {  	s7 =	rddreg [dreg:$0x0];
	s2 =	simm.s32 $0x0  }
0x2: {  	s26 =	simm.s32 $0x980;
	[smem:$0x7FF] =	sst s2  }
0x3: {  	s5 =	simm.s32 $0x1980;
	_ =	strace $0x80000050;
	[dreg:$0x3] =	wrdreg s26  }
0x4: {  	s6 =	simm.s32 $0x2180;
	[dreg:$0x5] =	wrdreg s5  }
0x5: {  	s8 =	simm.s32 $0x2980;
	[dreg:$0x6] =	wrdreg s6  }
0x6: {  	s10 =	simm.s32 $0x3180;
	[dreg:$0x7] =	wrdreg s8  }
0x7: {  	s11 =	simm.s32 $0x3980;
	[dreg:$0x8] =	wrdreg s10  }
0x8: {  	s13 =	simm.s32 $0x4180;
	[dreg:$0x9] =	wrdreg s11  }
0x9: {  	s14 =	simm.s32 $0x4980;
	[dreg:$0xa] =	wrdreg s13  }
0xa: {  	s15 =	simm.s32 $0x5180;
	[dreg:$0xb] =	wrdreg s14  }
0xb: {  	s0 =	srdreg.scid;
	s16 =	simm.s32 $0x5980;
	[dreg:$0xc] =	wrdreg s15  }
0xc: {  	s4 =	stileid.u32;
	s17 =	simm.s32 $0x6180;
	[dreg:$0xd] =	wrdreg s16  }
0xd: {  	s18 =	simm.s32 $0x6980;
	s19 =	simm.s32 $0x7180;
	[dreg:$0xe] =	wrdreg s17  }
0xe: {  	s20 =	simm.s32 $0x7980;
	s21 =	simm.s32 $0x8180;
	[dreg:$0xf] =	wrdreg s18  }
0xf: {  	s22 =	simm.s32 $0x8980;
	s23 =	simm.s32 $0x9180;
	[dreg:$0x10] =	wrdreg s19  }
0x10: {  	s24 =	simm.s32 $0x9980;
	s25 =	simm.s32 $0xA180;
	[dreg:$0x11] =	wrdreg s20  }
0x11: {  	s28 =	simm.s32 $0x13180;
	s29 =	simm.s32 $0x13980;
	[dreg:$0x12] =	wrdreg s21  }
0x12: {  	s30 =	simm.s32 $0x1;
	s31 =	simm.s32 $0x0;
	[dreg:$0x13] =	wrdreg s22  }
0x13: {  	s0 =	sand.u32 $0x1, s0;
	s1 =	smul.u32 $0x14000, s4;
	[dreg:$0x14] =	wrdreg s23  }
0x14: {  	s9 =	sshll.u32 s4, $0x1;
	s3 =	smul.u32 $0xA000, s0;
	[dreg:$0x15] =	wrdreg s24  }
0x15: {  	s6 =	sadd.s32 $0x5000, s7;
	s10 =	simm.s32 $0x180;
	[dreg:$0x16] =	wrdreg s25  }
0x16: {  	s26 =	simm.s32 $0xA980;
	s11 =	simm.s32 $0xB180;
	s13 =	simm.s32 $0xC180  }
0x17: {  	s14 =	simm.s32 $0xC980;
	s15 =	simm.s32 $0xD180;
	s16 =	simm.s32 $0xD980  }
0x18: {  	s17 =	simm.s32 $0xE180;
	s18 =	simm.s32 $0xE980;
	s19 =	simm.s32 $0xF180  }
0x19: {  	s20 =	simm.s32 $0xF980;
	s21 =	simm.s32 $0x10180;
	s22 =	simm.s32 $0x10980  }
0x1a: {  	s23 =	simm.s32 $0x11180;
	s24 =	simm.s32 $0x11980;
	s1 =	sadd.s32 s1, s7  }
0x1b: {  	[dreg:$0x17] =	wrdreg s26;
	s1 =	sadd.s32 s3, s1;
	s3 =	simm.s32 $0x1180  }
0x1c: {  	s25 =	simm.s32 $0x12180;
	[dreg:$0x4] =	wrdreg s3;
	s3 =	sor.u32 s0, s9  }
0x1d: {  	s26 =	simm.s32 $0x12980;
	s0 =	ssub.s32 $0x2, s0;
	s12 =	smul.u32 $0x140, s3  }
0x1e: {  	s1 =	sadd.s32 $0x3E4E00, s1;
	s9 =	simm.s32 $0x2;
	s5 =	sshrl.u32 s0, $0x1  }
0x1f: {  	[dreg:$0x2] =	wrdreg s1;
	s0 =	ssub.s32 s0, s5;
	s4 =	sshrl.u32 s12, $0x3  }
0x20: {  	v2 =	vlaneseq.u32;
	s3 =	sadd.s32 $0x4E00, s7;
	s0 =	smax.u32 s0, $0x1;
	s4 =	sadd.s32 s4, s7  }
0x21: {  	vm0 =	vmmov $0xffff;
	v1 =	vshrl.u32 v2, $0x3;
	s5 =	sadd.s32 $0x4F00, s7;
	[dreg:$0x19] =	wrdreg s0;
	s4 =	sadd.s32 $0x3800, s4  }
0x22: {  	v0 =	vand.u32 $0x7, v2;
	v2 =	vor.u32 $0x8, v2;
	v1 =	vmul.u32 $0x8, v1;
	s12 =	simm.s32 $0xB980;
	s7 =	sadd.s32 $0x5100, s7;
	[dreg:$0x18] =	wrdreg s4  }
.LBB2_1:
0x23: {  	s0 =	rddreg [dreg:$0x18]  }
0x24: {  	[tilespmem:s2], [sflag:$0x2] =	stream.linear.gather [hbm4b:s0+s2], $0x140, $0x38;
	[tilespmem:$0x14180] =	vst v63  }
0x25: {  	_ =	swait.ge [sflag:s9], $0x140  }
0x26: {  	[sflag:s9] =	ssyncset.done $0x0  }
0x27: {  	s1 =	simm.s32 $0x20;
	s0 =	simm.s32 $0x0;
	[sflag:s9] =	ssyncadd.s32 $0xFFFFFEC0  }
.LBB2_2:
0x28: {  	v3 =	vld [tilespmem:s1+$0xFFFFFFE0];
	_ =	sdelay $0x4  }
0x29: {  	v4 =	vshll.u32 v3, $0x3  }
0x2a: {  	v3 =	vand.u32 $0x7, v3;
	v4 =	vand.u32 $0xFFFFFFC0, v4  }
0x2b: {  	v3 =	vor.u32 v3, v4  }
0x2c: {  	v4 =	vperm.xlane v3, v0;
	_ =	sdelay $0x1  }
0x2d: {  	v4 =	vadd.s32 v1, v4;
	_ =	sdelay $0x4  }
0x2e: {  	[tilespmem:s10], [sflag:$0x1] =	stream.indirect_vreg.gather [hbm4b:s3+s2], $0x80, v4, vm0, $0xb8;
	[tilespmem:$0x14180] =	vst v63  }
0x2f: {  	s4 =	rddreg [dreg:$0x3];
	v3 =	vperm.xlane v3, v2  }
0x30: {  	[tilespmem:s4], [sflag:$0x1] =	stream.indirect_vreg.gather [hbm4b:s5+s2], $0x80, v4, vm0, $0xb8;
	[tilespmem:$0x14180] =	vst v63  }
0x31: {  	s8 =	rddreg [dreg:$0x4];
	v3 =	vadd.s32 v1, v3  }
0x32: {  	[tilespmem:s8], [sflag:$0x1] =	stream.indirect_vreg.gather [hbm4b:s6+s2], $0x80, v4, vm0, $0xb8;
	[tilespmem:$0x14180] =	vst v63  }
0x33: {  	s4 =	rddreg [dreg:$0x5]  }
0x34: {  	[tilespmem:s4], [sflag:$0x1] =	stream.indirect_vreg.gather [hbm4b:s7+s2], $0x80, v4, vm0, $0xb8;
	[tilespmem:$0x14180] =	vst v63  }
0x35: {  	s8 =	rddreg [dreg:$0x6]  }
0x36: {  	[tilespmem:s8], [sflag:$0x1] =	stream.indirect_vreg.gather [hbm4b:s3+s2], $0x80, v3, vm0, $0xb8;
	[tilespmem:$0x14180] =	vst v63  }
0x37: {  	s4 =	rddreg [dreg:$0x7]  }
0x38: {  	[tilespmem:s4], [sflag:$0x1] =	stream.indirect_vreg.gather [hbm4b:s5+s2], $0x80, v3, vm0, $0xb8;
	[tilespmem:$0x14180] =	vst v63  }
0x39: {  	s8 =	rddreg [dreg:$0x8]  }
0x3a: {  	[tilespmem:s8], [sflag:$0x1] =	stream.indirect_vreg.gather [hbm4b:s6+s2], $0x80, v3, vm0, $0xb8;
	[tilespmem:$0x14180] =	vst v63  }
0x3b: {  	s4 =	rddreg [dreg:$0x9]  }
0x3c: {  	[tilespmem:s4], [sflag:$0x1] =	stream.indirect_vreg.gather [hbm4b:s7+s2], $0x80, v3, vm0, $0xb8;
	[tilespmem:$0x14180] =	vst v63  }
0x3d: {  	v3 =	vld [tilespmem:s1+$0xFFFFFFF0];
	_ =	sdelay $0x4  }
0x3e: {  	v60 =	vshll.u32 v3, $0x3  }
0x3f: {  	v3 =	vand.u32 $0x7, v3;
	v4 =	vand.u32 $0xFFFFFFC0, v60  }
0x40: {  	v3 =	vor.u32 v3, v4  }
0x41: {  	v4 =	vperm.xlane v3, v0;
	_ =	sdelay $0x1  }
0x42: {  	v4 =	vadd.s32 v1, v4;
	_ =	sdelay $0x3  }
0x43: {  	s4 =	rddreg [dreg:$0xa]  }
0x44: {  	[tilespmem:s4], [sflag:$0x1] =	stream.indirect_vreg.gather [hbm4b:s3+s2], $0x80, v4, vm0, $0xb8;
	[tilespmem:$0x14180] =	vst v63  }
0x45: {  	s8 =	rddreg [dreg:$0xb];
	v3 =	vperm.xlane v3, v2  }
0x46: {  	[tilespmem:s8], [sflag:$0x1] =	stream.indirect_vreg.gather [hbm4b:s5+s2], $0x80, v4, vm0, $0xb8;
	[tilespmem:$0x14180] =	vst v63  }
0x47: {  	v3 =	vadd.s32 v1, v3;
	s4 =	rddreg [dreg:$0xc]  }
0x48: {  	[tilespmem:s4], [sflag:$0x1] =	stream.indirect_vreg.gather [hbm4b:s6+s2], $0x80, v4, vm0, $0xb8;
	[tilespmem:$0x14180] =	vst v63  }
0x49: {  	s8 =	rddreg [dreg:$0xd]  }
0x4a: {  	[tilespmem:s8], [sflag:$0x1] =	stream.indirect_vreg.gather [hbm4b:s7+s2], $0x80, v4, vm0, $0xb8;
	[tilespmem:$0x14180] =	vst v63  }
0x4b: {  	s4 =	rddreg [dreg:$0xe]  }
0x4c: {  	[tilespmem:s4], [sflag:$0x1] =	stream.indirect_vreg.gather [hbm4b:s3+s2], $0x80, v3, vm0, $0xb8;
	[tilespmem:$0x14180] =	vst v63  }
0x4d: {  	s8 =	rddreg [dreg:$0xf]  }
0x4e: {  	[tilespmem:s8], [sflag:$0x1] =	stream.indirect_vreg.gather [hbm4b:s5+s2], $0x80, v3, vm0, $0xb8;
	[tilespmem:$0x14180] =	vst v63  }
0x4f: {  	s4 =	rddreg [dreg:$0x10]  }
0x50: {  	[tilespmem:s4], [sflag:$0x1] =	stream.indirect_vreg.gather [hbm4b:s6+s2], $0x80, v3, vm0, $0xb8;
	[tilespmem:$0x14180] =	vst v63  }
0x51: {  	s8 =	rddreg [dreg:$0x11]  }
0x52: {  	[tilespmem:s8], [sflag:$0x1] =	stream.indirect_vreg.gather [hbm4b:s7+s2], $0x80, v3, vm0, $0xb8;
	[tilespmem:$0x14180] =	vst v63  }
0x53: {  	v3 =	vld [tilespmem:s1+$0x0];
	_ =	sdelay $0x4  }
0x54: {  	v61 =	vshll.u32 v3, $0x3  }
0x55: {  	v3 =	vand.u32 $0x7, v3;
	v4 =	vand.u32 $0xFFFFFFC0, v61  }
0x56: {  	v3 =	vor.u32 v3, v4  }
0x57: {  	v4 =	vperm.xlane v3, v0;
	_ =	sdelay $0x1  }
0x58: {  	v4 =	vadd.s32 v1, v4;
	_ =	sdelay $0x3  }
0x59: {  	s4 =	rddreg [dreg:$0x12]  }
0x5a: {  	[tilespmem:s4], [sflag:$0x1] =	stream.indirect_vreg.gather [hbm4b:s3+s2], $0x80, v4, vm0, $0xb8;
	[tilespmem:$0x14180] =	vst v63  }
0x5b: {  	s8 =	rddreg [dreg:$0x13];
	v3 =	vperm.xlane v3, v2  }
0x5c: {  	[tilespmem:s8], [sflag:$0x1] =	stream.indirect_vreg.gather [hbm4b:s5+s2], $0x80, v4, vm0, $0xb8;
	[tilespmem:$0x14180] =	vst v63  }
0x5d: {  	v3 =	vadd.s32 v1, v3;
	s4 =	rddreg [dreg:$0x14]  }
0x5e: {  	[tilespmem:s4], [sflag:$0x1] =	stream.indirect_vreg.gather [hbm4b:s6+s2], $0x80, v4, vm0, $0xb8;
	[tilespmem:$0x14180] =	vst v63  }
0x5f: {  	s8 =	rddreg [dreg:$0x15]  }
0x60: {  	[tilespmem:s8], [sflag:$0x1] =	stream.indirect_vreg.gather [hbm4b:s7+s2], $0x80, v4, vm0, $0xb8;
	[tilespmem:$0x14180] =	vst v63  }
0x61: {  	s4 =	rddreg [dreg:$0x16]  }
0x62: {  	[tilespmem:s4], [sflag:$0x1] =	stream.indirect_vreg.gather [hbm4b:s3+s2], $0x80, v3, vm0, $0xb8;
	[tilespmem:$0x14180] =	vst v63  }
0x63: {  	s8 =	rddreg [dreg:$0x17]  }
0x64: {  	[tilespmem:s8], [sflag:$0x1] =	stream.indirect_vreg.gather [hbm4b:s5+s2], $0x80, v3, vm0, $0xb8;
	[tilespmem:$0x14180] =	vst v63  }
0x65: {  	_ = 	snop  }
0x66: {  	[tilespmem:s11], [sflag:$0x1] =	stream.indirect_vreg.gather [hbm4b:s6+s2], $0x80, v3, vm0, $0xb8;
	[tilespmem:$0x14180] =	vst v63  }
0x67: {  	_ = 	snop  }
0x68: {  	[tilespmem:s12], [sflag:$0x1] =	stream.indirect_vreg.gather [hbm4b:s7+s2], $0x80, v3, vm0, $0xb8;
	[tilespmem:$0x14180] =	vst v63  }
0x69: {  	v3 =	vld [tilespmem:s1+$0x10];
	_ =	sdelay $0x4  }
0x6a: {  	v62 =	vshll.u32 v3, $0x3  }
0x6b: {  	v3 =	vand.u32 $0x7, v3;
	v4 =	vand.u32 $0xFFFFFFC0, v62  }
0x6c: {  	v3 =	vor.u32 v3, v4  }
0x6d: {  	v4 =	vperm.xlane v3, v0;
	_ =	sdelay $0x1  }
0x6e: {  	v4 =	vadd.s32 v1, v4;
	_ =	sdelay $0x4  }
0x6f: {  	[tilespmem:s13], [sflag:$0x1] =	stream.indirect_vreg.gather [hbm4b:s3+s2], $0x80, v4, vm0, $0xb8;
	[tilespmem:$0x14180] =	vst v63  }
0x70: {  	v3 =	vperm.xlane v3, v2  }
0x71: {  	[tilespmem:s14], [sflag:$0x1] =	stream.indirect_vreg.gather [hbm4b:s5+s2], $0x80, v4, vm0, $0xb8;
	[tilespmem:$0x14180] =	vst v63  }
0x72: {  	v3 =	vadd.s32 v1, v3  }
0x73: {  	[tilespmem:s15], [sflag:$0x1] =	stream.indirect_vreg.gather [hbm4b:s6+s2], $0x80, v4, vm0, $0xb8;
	[tilespmem:$0x14180] =	vst v63  }
0x74: {  	_ = 	snop  }
0x75: {  	[tilespmem:s16], [sflag:$0x1] =	stream.indirect_vreg.gather [hbm4b:s7+s2], $0x80, v4, vm0, $0xb8;
	[tilespmem:$0x14180] =	vst v63  }
0x76: {  	_ = 	snop  }
0x77: {  	[tilespmem:s17], [sflag:$0x1] =	stream.indirect_vreg.gather [hbm4b:s3+s2], $0x80, v3, vm0, $0xb8;
	[tilespmem:$0x14180] =	vst v63  }
0x78: {  	_ = 	snop  }
0x79: {  	[tilespmem:s18], [sflag:$0x1] =	stream.indirect_vreg.gather [hbm4b:s5+s2], $0x80, v3, vm0, $0xb8;
	[tilespmem:$0x14180] =	vst v63  }
0x7a: {  	_ = 	snop  }
0x7b: {  	[tilespmem:s19], [sflag:$0x1] =	stream.indirect_vreg.gather [hbm4b:s6+s2], $0x80, v3, vm0, $0xb8;
	[tilespmem:$0x14180] =	vst v63  }
0x7c: {  	_ = 	snop  }
0x7d: {  	[tilespmem:s20], [sflag:$0x1] =	stream.indirect_vreg.gather [hbm4b:s7+s2], $0x80, v3, vm0, $0xb8;
	[tilespmem:$0x14180] =	vst v63  }
0x7e: {  	v3 =	vld [tilespmem:s1+$0x20];
	_ =	sdelay $0x4  }
0x7f: {  	v63 =	vshll.u32 v3, $0x3  }
0x80: {  	v3 =	vand.u32 $0x7, v3;
	v4 =	vand.u32 $0xFFFFFFC0, v63  }
0x81: {  	v3 =	vor.u32 v3, v4  }
0x82: {  	v4 =	vperm.xlane v3, v0;
	_ =	sdelay $0x1  }
0x83: {  	v4 =	vadd.s32 v1, v4;
	_ =	sdelay $0x4  }
0x84: {  	[tilespmem:s21], [sflag:$0x1] =	stream.indirect_vreg.gather [hbm4b:s3+s2], $0x80, v4, vm0, $0xb8;
	[tilespmem:$0x14180] =	vst v63  }
0x85: {  	v3 =	vperm.xlane v3, v2  }
0x86: {  	[tilespmem:s22], [sflag:$0x1] =	stream.indirect_vreg.gather [hbm4b:s5+s2], $0x80, v4, vm0, $0xb8;
	[tilespmem:$0x14180] =	vst v63  }
0x87: {  	v3 =	vadd.s32 v1, v3  }
0x88: {  	[tilespmem:s23], [sflag:$0x1] =	stream.indirect_vreg.gather [hbm4b:s6+s2], $0x80, v4, vm0, $0xb8;
	[tilespmem:$0x14180] =	vst v63  }
0x89: {  	_ = 	snop  }
0x8a: {  	[tilespmem:s24], [sflag:$0x1] =	stream.indirect_vreg.gather [hbm4b:s7+s2], $0x80, v4, vm0, $0xb8;
	[tilespmem:$0x14180] =	vst v63  }
0x8b: {  	_ = 	snop  }
0x8c: {  	[tilespmem:s25], [sflag:$0x1] =	stream.indirect_vreg.gather [hbm4b:s3+s2], $0x80, v3, vm0, $0xb8;
	[tilespmem:$0x14180] =	vst v63  }
0x8d: {  	_ = 	snop  }
0x8e: {  	[tilespmem:s26], [sflag:$0x1] =	stream.indirect_vreg.gather [hbm4b:s5+s2], $0x80, v3, vm0, $0xb8;
	[tilespmem:$0x14180] =	vst v63  }
0x8f: {  	_ = 	snop  }
0x90: {  	[tilespmem:s28], [sflag:$0x1] =	stream.indirect_vreg.gather [hbm4b:s6+s2], $0x80, v3, vm0, $0xb8;
	[tilespmem:$0x14180] =	vst v63  }
0x91: {  	_ = 	snop  }
0x92: {  	[tilespmem:s29], [sflag:$0x1] =	stream.indirect_vreg.gather [hbm4b:s7+s2], $0x80, v3, vm0, $0xb8;
	[tilespmem:$0x14180] =	vst v63  }
0x93: {  	_ =	swait.ge [sflag:s30], $0x14000  }
0x94: {  	p0 =	sne.s32 s0, $0x7800;
	s8 =	rddreg [dreg:$0x2];
	[sflag:s30] =	ssyncset.done $0x0  }
.Ltmp0:
0x95: {  	[sflag:s30] =	ssyncadd.s32 $0xFFFEC000;
	s4 =	sadd.s32 s0, s8;
	(pc) =	sbr.rel @p0 .LBB2_2-.Ltmp0, $4  }
0x96: {  	[hbm4b:s4+s2] =	stream.linear.scatter [tilespmem:s10], [sflag:$0x2], $0x14000, $0x38;
	[tilespmem:$0x14180] =	vst v63  }
0x97: {  	_ =	swait.ge [sflag:s9], $0x14000  }
0x98: {  	[sflag:s9] =	ssyncset.done $0x0  }
0x99: {  	s1 =	sadd.s32 $0x50, s1;
	s0 =	sadd.s32 $0x2800, s0;
	[sflag:s9] =	ssyncadd.s32 $0xFFFEC000  }
0x9a: {  	s31 =	sadd.s32 $0x1, s31;
	s0 =	rddreg [dreg:$0x19]  }
0x9b: {  	p0 =	sne.s32 s31, s0  }
.Ltmp1:
0x9c: {  	_ = 	snop;
	(pc) =	sbr.rel @p0 .LBB2_1-.Ltmp1, $1  }
0x9d: {  	_ =	sdelay $0x3  }
0x9e: {  	_ =	sfence.sel $0x180000  }
0x9f: {  	[bflag:$0x0] =	sbarrier.arrive $0xFFFF  }
0xa0: {  	_ =	strace $0x90000050  }
0xa1: {  	s0 =	stileid.u32;
	[bflag:$0x2] =	sbarrier.arrive $0xFFFF  }
0xa2: {  	p0 =	sne.s32 s0, $0x0;
	s0 =	rddreg [dreg:$0x1]  }
0xa3: {  	s0 =	sadd.s32 @!p0 $0x100000, s0  }
0xa4: {  	[sflag:s0] =	ssyncadd.tile.s32 @!p0 $0x1;
	_ =	shalt  }
.Lfunc_end2:
_tile_overlayer_lowered:
.L_overlay_start_2:
0xa5: {  	(tag) =	ssettag $0x2  }
0xa6: {  	s0 =	rddreg [dreg:$0x0];
	s2 =	stileid.u32  }
0xa7: {  	s1 =	rddreg [dreg:$0x1];
	p0 =	sne.s32 s2, $0x0  }
0xa8: {  	s3 =	rddreg [dreg:$0x2];
	[bflag:$0x3] =	sbarrier.arrive $0xFFFF;
	s2 =	simm.s32 @!p0 $0x1C02  }
0xa9: {  	[timem:s3], [sflag:s2] =	dma.local @!p0 [hbm:s0], s1  }
0xaa: {  	s0 =	simm.s32 @!p0 $0x2  }
0xab: {  	_ =	swait.ge @!p0 [sflag:s0], s1  }
0xac: {  	s1 =	ssub.s32 @!p0 $0x0, s1;
	[sflag:s0] =	ssyncset.done @!p0 $0x0  }
0xad: {  	[sflag:s0] =	ssyncadd.s32 @!p0 s1  }
0xae: {  	[bflag:$0x3] =	sbarrier.arrive $0xFFFF  }
0xaf: {  	_ =	shalt  }

// kernel: kernel.26.cloned.1.call-start
scs
__scs_entry_jumppad:
0x0: {  	(pc) =	sbr.rel $0x88, $3  }
0x1: {  	(tag) =	ssettag $0x0;
	lr =	simm.s32 $0x1  }
0x2: {  	[smem:$0x3F97] =	sst lr;
	_ =	strace $0xD0000000  }
0x3: {  	_ = 	snop  }
0x4: {  	_ = 	snop  }
0x5: {  	_ = 	snop  }
0x6: {  	_ = 	snop  }
0x7: {  	_ = 	snop  }
__scs_overlays_trampoline_lowered:
0x8: {  	[smem:$0x3FA6] =	sst s0  }
0x9: {  	[smem:$0x3FA7] =	sst s1  }
0xa: {  	[smem:$0x3FA8] =	sst s2  }
0xb: {  	[smem:$0x3FA9] =	sst s3  }
0xc: {  	[smem:$0x3FAA] =	sst s4  }
0xd: {  	[smem:$0x3FAB] =	sst s5  }
0xe: {  	[smem:$0x3FAC] =	sst s6  }
0xf: {  	[smem:$0x3FAD] =	sst s7  }
0x10: {  	[smem:$0x3FAE] =	sst s8  }
0x11: {  	[smem:$0x3FAF] =	sst s9;
	s0 =	simm.s32 @!p0 $0x0  }
0x12: {  	s1 =	sld [smem:$0x3F95];
	s0 =	simm.s32 @p0 $0x1  }
0x13: {  	[smem:$0x3FB0] =	sst s0;
	s0 =	simm.s32 @!p1 $0x0  }
0x14: {  	s2 =	sld [smem:$0x3F94];
	s0 =	simm.s32 @p1 $0x1  }
0x15: {  	[smem:$0x3FB1] =	sst s0;
	s0 =	simm.s32 @!p2 $0x0  }
0x16: {  	s3 =	sld [smem:$0x3FDB];
	s0 =	simm.s32 @p2 $0x1  }
0x17: {  	s4 =	simm.s32 $0x1BF5;
	[smem:$0x3FB3] =	sst s0  }
0x18: {  	s0 =	sld [smem:$0x3F96];
	_ =	swait.ge [sflag:s4], $0x0  }
0x19: {  	s7 =	sld [smem:$0x3F97]  }
0x1a: {  	s8 =	sadd.s32 $0xFFFFE003, lr  }
0x1b: {  	s9 =	sadd.s32 $0xFFFFFEF7, lr;
	s5 =	simm.s32 $0xFFFFFFFF;
	p2 =	slt.u32 s8, $0xFFFFF086  }
0x1c: {  	p1 =	slt.u32 s9, $0xF7A;
	s5 =	simm.s32 @!p2 $0x0  }
0x1d: {  	s5 =	simm.s32 @p1 $0x1;
	p0 =	seq.s32 s7, s2  }
0x1e: {  	s7 =	smul.u32 @!p0 $0xF7A, s2;
	p2 =	seq.s32 @!p0 s5, $0x0  }
0x1f: {  	s9 =	smul.u32 $0xF7A, s1;
	s8 =	simm.s32 @!p0 $0x1BF5;
	p2 =	por !p2, p0  }
0x20: {  	[sflag:s8] =	ssyncset.s32 @!p0 $0xFFFFF086;
	s6 =	sadd.s32 @!p0 s3, s7;
	s7 =	simm.s32 @!p0 $0x108  }
0x21: {  	s3 =	sadd.s32 s3, s9;
	s6 =	sadd.s32 @!p0 $0x88, s6;
	s7 =	simm.s32 @p2 $0x1082  }
0x22: {  	[simem:s7], [sflag:s8] =	dma.local @!p0 [hbm:s6], $0xF7A  }
0x23: {  	s9 =	sor.u32 $0xD0000000, s2;
	s6 =	simm.s32 $0x108;
	_ =	swait.ge @!p0 [sflag:s8], $0x0  }
0x24: {  	s3 =	sadd.s32 $0x88, s3;
	s6 =	simm.s32 @!p1 $0x1082;
	[sflag:s4] =	ssyncset.s32 $0xFFFFF086  }
0x25: {  	[simem:s6], [sflag:s4] =	dma.local [hbm:s3], $0xF7A  }
0x26: {  	[smem:$0x3F97] =	sst s1;
	(tag) =	ssettag s2;
	_ =	strace s9  }
0x27: {  	s1 =	sld [smem:$0x3FA7]  }
0x28: {  	s2 =	sld [smem:$0x3FA8]  }
0x29: {  	s4 =	sld [smem:$0x3FAA]  }
0x2a: {  	p0 =	seq.s32 s5, $0x0;
	s5 =	sld [smem:$0x3FAB]  }
0x2b: {  	s6 =	sld [smem:$0x3FAC]  }
0x2c: {  	s7 =	sld [smem:$0x3FAD]  }
0x2d: {  	s3 =	simm.s32 $0x108;
	s8 =	sld [smem:$0x3FAE]  }
0x2e: {  	s3 =	simm.s32 @!p0 $0x1082;
	s9 =	sld [smem:$0x3FAF]  }
0x2f: {  	lr =	sadd.s32 s0, s3;
	s0 =	sld [smem:$0x3FA6]  }
0x30: {  	s3 =	sld [smem:$0x3FA9]  }
0x31: {  	[smem:$0x3FB2] =	sst s10  }
0x32: {  	s10 =	sld [smem:$0x3FB0];
	_ =	sdelay $0x3  }
0x33: {  	p0 =	seq.s32 s10, $0x1;
	s10 =	sld [smem:$0x3FB2];
	_ =	sdelay $0x3  }
0x34: {  	[smem:$0x3FB2] =	sst s10  }
0x35: {  	s10 =	sld [smem:$0x3FB1];
	_ =	sdelay $0x3  }
0x36: {  	p1 =	seq.s32 s10, $0x1;
	s10 =	sld [smem:$0x3FB2];
	_ =	sdelay $0x3  }
0x37: {  	[smem:$0x3FB2] =	sst s10  }
0x38: {  	s10 =	sld [smem:$0x3FB3]  }
0x39: {  	_ = 	snop;
	(pc) =	sbr.ind lr, $3  }
0x3a: {  	_ = 	snop  }
0x3b: {  	_ = 	snop  }
0x3c: {  	p2 =	seq.s32 s10, $0x1;
	s10 =	sld [smem:$0x3FB2]  }
0x3d: {  	_ =	shalt  }
0x3e: {  	_ =	shalt  }
0x3f: {  	_ =	shalt  }
0x40: {  	_ =	shalt  }
0x41: {  	_ =	shalt  }
0x42: {  	_ =	shalt  }
0x43: {  	_ =	shalt  }
0x44: {  	_ =	shalt  }
0x45: {  	_ =	shalt  }
0x46: {  	_ =	shalt  }
0x47: {  	_ =	shalt  }
0x48: {  	_ =	shalt  }
0x49: {  	_ =	shalt  }
0x4a: {  	_ =	shalt  }
0x4b: {  	_ =	shalt  }
0x4c: {  	_ =	shalt  }
0x4d: {  	_ =	shalt  }
0x4e: {  	_ =	shalt  }
0x4f: {  	_ =	shalt  }
0x50: {  	_ =	shalt  }
0x51: {  	_ =	shalt  }
0x52: {  	_ =	shalt  }
0x53: {  	_ =	shalt  }
0x54: {  	_ =	shalt  }
0x55: {  	_ =	shalt  }
0x56: {  	_ =	shalt  }
0x57: {  	_ =	shalt  }
0x58: {  	_ =	shalt  }
0x59: {  	_ =	shalt  }
0x5a: {  	_ =	shalt  }
0x5b: {  	_ =	shalt  }
0x5c: {  	_ =	shalt  }
0x5d: {  	_ =	shalt  }
0x5e: {  	_ =	shalt  }
0x5f: {  	_ =	shalt  }
0x60: {  	_ =	shalt  }
0x61: {  	_ =	shalt  }
0x62: {  	_ =	shalt  }
0x63: {  	_ =	shalt  }
0x64: {  	_ =	shalt  }
0x65: {  	_ =	shalt  }
0x66: {  	_ =	shalt  }
0x67: {  	_ =	shalt  }
0x68: {  	_ =	shalt  }
0x69: {  	_ =	shalt  }
0x6a: {  	_ =	shalt  }
0x6b: {  	_ =	shalt  }
0x6c: {  	_ =	shalt  }
0x6d: {  	_ =	shalt  }
0x6e: {  	_ =	shalt  }
0x6f: {  	_ =	shalt  }
0x70: {  	_ =	shalt  }
0x71: {  	_ =	shalt  }
0x72: {  	_ =	shalt  }
0x73: {  	_ =	shalt  }
0x74: {  	_ =	shalt  }
0x75: {  	_ =	shalt  }
0x76: {  	_ =	shalt  }
0x77: {  	_ =	shalt  }
0x78: {  	_ =	shalt  }
0x79: {  	_ =	shalt  }
0x7a: {  	_ =	shalt  }
0x7b: {  	_ =	shalt  }
0x7c: {  	_ =	shalt  }
0x7d: {  	_ =	shalt  }
0x7e: {  	_ =	shalt  }
0x7f: {  	_ =	shalt  }
0x80: {  	_ =	shalt  }
0x81: {  	_ =	shalt  }
0x82: {  	_ =	shalt  }
0x83: {  	_ =	shalt  }
0x84: {  	_ =	shalt  }
0x85: {  	_ =	shalt  }
0x86: {  	_ =	shalt  }
0x87: {  	_ =	shalt  }
.Lfunc_end0:
.L_simem_size_0:
called_computation.4_lowered:
.L_overlay_start_0:
0x88: {  	s2 =	sld [smem:$0x3FD9]  }
0x89: {  	s3 =	sld [smem:$0x3FFE];
	_ =	sdelay $0x1  }
0x8a: {  	s1 =	srdreg.scid  }
0x8b: {  	s0 =	sand.u32 $0x1, s1  }
0x8c: {  	s17 =	sshll.u32 s0, $0xA;
	s2 =	sadd.s32 s3, s2  }
0x8d: {  	s2 =	sadd.s32 s2, s17  }
0x8e: {  	[smem:$0x3FBE] =	sst s2  }
0x8f: {  	_ = 	snop  }
0x90: {  	(tm) =	ssettm $0x1  }
0x91: {  	s18 =	sld [smem:$0x3FFB];
	_ =	sdelay $0x3  }
0x92: {  	_ =	strace s18  }
0x93: {  	s2 =	sld [smem:$0x3FFC];
	_ =	sdelay $0x3  }
0x94: {  	_ =	strace s2  }
0x95: {  	s2 =	sld [smem:$0x3FFD];
	_ =	sdelay $0x3  }
0x96: {  	_ =	strace s2  }
0x97: {  	_ =	strace $0x8FFFFFFF  }
0x98: {  	s19 =	sld [smem:$0x3FDB];
	_ =	sdelay $0x1  }
0x99: {  	s20 =	simm.s32 $_scs_section_size  }
0x9a: {  	s4 =	simm.s32 $_size__tile_overlayer_lowered;
	s5 =	simm.s32 $_tile_overlayer_lowered  }
0x9b: {  	s6 =	simm.s32 $0x1BFF;
	s21 =	sshll.u32 s5, $0x1;
	s3 =	sadd.s32 s20, s19  }
0x9c: {  	s22 =	simm.s32 $0x0;
	s4 =	sshll.u32 s4, $0x1;
	s5 =	sadd.s32 s21, s3  }
0x9d: {  	[timem:s22], [sflag:s6] =	dma.local [hbm:s5], s4  }
0x9e: {  	_ =	swait.ge [sflag:s6], s4  }
0x9f: {  	s4 =	ssub.s32 $0x0, s4;
	[sflag:s6] =	ssyncset.done $0x0  }
0xa0: {  	[sflag:s6] =	ssyncadd.s32 s4;
	_ =	sdelay $0x1  }
0xa1: {  	s23 =	simm.s32 $0x1B8B  }
0xa2: {  	_ =	swait.ge [sflag:s23], $0x1  }
0xa3: {  	[sflag:s23] =	ssyncset.done $0x0  }
0xa4: {  	[sflag:s23] =	ssyncadd.s32 $0xFFFFFFFF  }
0xa5: {  	s4 =	sld [smem:$0x0]  }
0xa6: {  	s5 =	sand.u32 $0xFFFFFFFE, s1  }
0xa7: {  	p0 =	sne.s32 s1, s5  }
0xa8: {  	s5 =	sshll.u32 @p0 s5, $0xE  }
0xa9: {  	s5 =	sadd.s32 @p0 $0x11B8D, s5;
	s6 =	sshll.u32 @p0 s4, $0x11  }
0xaa: {  	s5 =	sor.u32 @p0 s6, s5  }
0xab: {  	[sflag:s5] =	ssyncadd.remote.s32 @p0 $0x1;
	_ =	sdelay $0x1  }
0xac: {  	s5 =	simm.s32 @p0 $0x1B8D  }
0xad: {  	_ =	swait.eq @p0 [sflag:s5], $0x1  }
0xae: {  	[sflag:s5] =	ssyncadd.s32 @p0 $0xFFFFFFFF  }
0xaf: {  	s6 =	sshll.u32 @!p0 s1, $0xE  }
0xb0: {  	s6 =	sor.u32 @!p0 $0x4000, s6;
	s5 =	simm.s32 @!p0 $0x1B8D  }
0xb1: {  	s4 =	sshll.u32 @!p0 s4, $0x11;
	s6 =	sadd.s32 @!p0 $0x11B8D, s6;
	_ =	swait.eq @!p0 [sflag:s5], $0x1  }
0xb2: {  	s4 =	sor.u32 @!p0 s4, s6;
	[sflag:s5] =	ssyncadd.s32 @!p0 $0xFFFFFFFF  }
0xb3: {  	s25 =	simm.s32 $0x1B8E;
	s24 =	sld [smem:$0x3FFE];
	[sflag:s4] =	ssyncadd.remote.s32 @!p0 $0x1  }
0xb4: {  	s26 =	simm.s32 $execute0_lowered;
	[smem:$0x3FD2] =	sst s25  }
0xb5: {  	s5 =	sshll.u32 s26, $0x1;
	_ =	strace $0x80000052;
	[dreg:$0x1] =	wrdreg $0xFFFFFFFF  }
0xb6: {  	s28 =	simm.s32 $_size_execute0_lowered;
	s3 =	sadd.s32 s3, s5;
	[dreg:$0x0] =	wrdreg $0x0  }
0xb7: {  	s5 =	sshll.u32 s28, $0x1;
	[dreg:$0x2] =	wrdreg s3  }
0xb8: {  	[dreg:$0x3] =	wrdreg s5  }
0xb9: {  	[dreg:$0x4] =	wrdreg $0xC0  }
0xba: {  	_ =	task [dreg:s22], $0x5FFFF  }
0xbb: {  	[dreg:$0x1] =	wrdreg $0xFFFFFFFF  }
0xbc: {  	[dreg:$0x0] =	wrdreg $0x60  }
0xbd: {  	[dreg:$0x2] =	wrdreg s24  }
0xbe: {  	[dreg:$0x3] =	wrdreg $0xD  }
0xbf: {  	_ =	task.clear_ibuf [dreg:s22], $0x4FFFF;
	_ =	strace $0x90000052  }
0xc0: {  	s29 =	simm.s32 $0xD;
	_ =	strace $0x80000054  }
0xc1: {  	_ =	swait.ge [sflag:s29], $0x1  }
0xc2: {  	[sflag:s29] =	ssyncadd.s32 $0xFFFFFFFF  }
0xc3: {  	_ =	strace $0x90000054  }
0xc4: {  	_ =	sfence  }
0xc5: {  	s30 =	sld [smem:$0x0];
	_ =	sdelay $0x2  }
0xc6: {  	s31 =	sshll.u32 s1, $0xD;
	s1 =	sshrl.u32 s1, $0x2  }
0xc7: {  	s4 =	sand.u32 $0x4000, s31;
	s1 =	sadd.s32 s1, s30  }
0xc8: {  	s0 =	sor.u32 s4, s0;
	s1 =	sshll.u32 s1, $0x11  }
0xc9: {  	s0 =	sor.u32 s1, s0  }
0xca: {  	s0 =	sadd.s32 $0x8F2B, s0  }
0xcb: {  	[sflag:s0] =	ssyncadd.remote.s32 $0x1  }
0xcc: {  	_ =	sfence.sel $0xFFFF  }
0xcd: {  	[dreg:$0x0] =	wrdreg $0xFFFFFFFF;
	(pc) =	sbr.abs _section_cstart, $3  }
0xce: {  	[dreg:$0x1] =	wrdreg $0xFFFFFFFF  }
0xcf: {  	_ =	task.clear_ibuf [dreg:s22], $0x2FFFF;
	_ =	strace $0x9FFFFFFF  }
0xd0: {  	(tm) =	ssettm $0x7FFFFFFF  }
0xd1: {  	_ =	shalt  }
tec
execute0_lowered:
.L_overlay_start_1:
0x0: {  	(tag) =	ssettag $0x1  }
0x1: {  	s7 =	rddreg [dreg:$0x0];
	s2 =	simm.s32 $0x0  }
0x2: {  	s26 =	simm.s32 $0x980;
	[smem:$0x7FF] =	sst s2  }
0x3: {  	s5 =	simm.s32 $0x1980;
	_ =	strace $0x80000053;
	[dreg:$0x3] =	wrdreg s26  }
0x4: {  	s6 =	simm.s32 $0x2180;
	[dreg:$0x5] =	wrdreg s5  }
0x5: {  	s8 =	simm.s32 $0x2980;
	[dreg:$0x6] =	wrdreg s6  }
0x6: {  	s10 =	simm.s32 $0x3180;
	[dreg:$0x7] =	wrdreg s8  }
0x7: {  	s11 =	simm.s32 $0x3980;
	[dreg:$0x8] =	wrdreg s10  }
0x8: {  	s13 =	simm.s32 $0x4180;
	[dreg:$0x9] =	wrdreg s11  }
0x9: {  	s14 =	simm.s32 $0x4980;
	[dreg:$0xa] =	wrdreg s13  }
0xa: {  	s15 =	simm.s32 $0x5180;
	[dreg:$0xb] =	wrdreg s14  }
0xb: {  	s0 =	srdreg.scid;
	s16 =	simm.s32 $0x5980;
	[dreg:$0xc] =	wrdreg s15  }
0xc: {  	s4 =	stileid.u32;
	s17 =	simm.s32 $0x6180;
	[dreg:$0xd] =	wrdreg s16  }
0xd: {  	s18 =	simm.s32 $0x6980;
	s19 =	simm.s32 $0x7180;
	[dreg:$0xe] =	wrdreg s17  }
0xe: {  	s20 =	simm.s32 $0x7980;
	s21 =	simm.s32 $0x8180;
	[dreg:$0xf] =	wrdreg s18  }
0xf: {  	s22 =	simm.s32 $0x8980;
	s23 =	simm.s32 $0x9180;
	[dreg:$0x10] =	wrdreg s19  }
0x10: {  	s24 =	simm.s32 $0x9980;
	s25 =	simm.s32 $0xA180;
	[dreg:$0x11] =	wrdreg s20  }
0x11: {  	s28 =	simm.s32 $0x13180;
	s29 =	simm.s32 $0x13980;
	[dreg:$0x12] =	wrdreg s21  }
0x12: {  	s30 =	simm.s32 $0x1;
	s31 =	simm.s32 $0x0;
	[dreg:$0x13] =	wrdreg s22  }
0x13: {  	s0 =	sand.u32 $0x1, s0;
	s1 =	smul.u32 $0x14000, s4;
	[dreg:$0x14] =	wrdreg s23  }
0x14: {  	s9 =	sshll.u32 s4, $0x1;
	s3 =	smul.u32 $0xA000, s0;
	[dreg:$0x15] =	wrdreg s24  }
0x15: {  	s6 =	sadd.s32 $0x5000, s7;
	s10 =	simm.s32 $0x180;
	[dreg:$0x16] =	wrdreg s25  }
0x16: {  	s26 =	simm.s32 $0xA980;
	s11 =	simm.s32 $0xB180;
	s13 =	simm.s32 $0xC180  }
0x17: {  	s14 =	simm.s32 $0xC980;
	s15 =	simm.s32 $0xD180;
	s16 =	simm.s32 $0xD980  }
0x18: {  	s17 =	simm.s32 $0xE180;
	s18 =	simm.s32 $0xE980;
	s19 =	simm.s32 $0xF180  }
0x19: {  	s20 =	simm.s32 $0xF980;
	s21 =	simm.s32 $0x10180;
	s22 =	simm.s32 $0x10980  }
0x1a: {  	s23 =	simm.s32 $0x11180;
	s24 =	simm.s32 $0x11980;
	s1 =	sadd.s32 s1, s7  }
0x1b: {  	[dreg:$0x17] =	wrdreg s26;
	s1 =	sadd.s32 s3, s1;
	s3 =	simm.s32 $0x1180  }
0x1c: {  	s25 =	simm.s32 $0x12180;
	[dreg:$0x4] =	wrdreg s3;
	s3 =	sor.u32 s0, s9  }
0x1d: {  	s26 =	simm.s32 $0x12980;
	s0 =	ssub.s32 $0x2, s0;
	s12 =	smul.u32 $0x140, s3  }
0x1e: {  	s1 =	sadd.s32 $0x524E00, s1;
	s9 =	simm.s32 $0x2;
	s5 =	sshrl.u32 s0, $0x1  }
0x1f: {  	[dreg:$0x2] =	wrdreg s1;
	s0 =	ssub.s32 s0, s5;
	s4 =	sshrl.u32 s12, $0x3  }
0x20: {  	v2 =	vlaneseq.u32;
	s3 =	sadd.s32 $0x4E00, s7;
	s0 =	smax.u32 s0, $0x1;
	s4 =	sadd.s32 s4, s7  }
0x21: {  	vm0 =	vmmov $0xffff;
	v1 =	vshrl.u32 v2, $0x3;
	s5 =	sadd.s32 $0x4F00, s7;
	[dreg:$0x19] =	wrdreg s0;
	s4 =	sadd.s32 $0x3E00, s4  }
0x22: {  	v0 =	vand.u32 $0x7, v2;
	v2 =	vor.u32 $0x8, v2;
	v1 =	vmul.u32 $0x8, v1;
	s12 =	simm.s32 $0xB980;
	s7 =	sadd.s32 $0x5100, s7;
	[dreg:$0x18] =	wrdreg s4  }
.LBB2_1:
0x23: {  	s0 =	rddreg [dreg:$0x18]  }
0x24: {  	[tilespmem:s2], [sflag:$0x2] =	stream.linear.gather [hbm4b:s0+s2], $0x140, $0x38;
	[tilespmem:$0x14180] =	vst v63  }
0x25: {  	_ =	swait.ge [sflag:s9], $0x140  }
0x26: {  	[sflag:s9] =	ssyncset.done $0x0  }
0x27: {  	s1 =	simm.s32 $0x20;
	s0 =	simm.s32 $0x0;
	[sflag:s9] =	ssyncadd.s32 $0xFFFFFEC0  }
.LBB2_2:
0x28: {  	v3 =	vld [tilespmem:s1+$0xFFFFFFE0];
	_ =	sdelay $0x4  }
0x29: {  	v4 =	vshll.u32 v3, $0x3  }
0x2a: {  	v3 =	vand.u32 $0x7, v3;
	v4 =	vand.u32 $0xFFFFFFC0, v4  }
0x2b: {  	v3 =	vor.u32 v3, v4  }
0x2c: {  	v4 =	vperm.xlane v3, v0;
	_ =	sdelay $0x1  }
0x2d: {  	v4 =	vadd.s32 v1, v4;
	_ =	sdelay $0x4  }
0x2e: {  	[tilespmem:s10], [sflag:$0x1] =	stream.indirect_vreg.gather [hbm4b:s3+s2], $0x80, v4, vm0, $0xb8;
	[tilespmem:$0x14180] =	vst v63  }
0x2f: {  	s4 =	rddreg [dreg:$0x3];
	v3 =	vperm.xlane v3, v2  }
0x30: {  	[tilespmem:s4], [sflag:$0x1] =	stream.indirect_vreg.gather [hbm4b:s5+s2], $0x80, v4, vm0, $0xb8;
	[tilespmem:$0x14180] =	vst v63  }
0x31: {  	s8 =	rddreg [dreg:$0x4];
	v3 =	vadd.s32 v1, v3  }
0x32: {  	[tilespmem:s8], [sflag:$0x1] =	stream.indirect_vreg.gather [hbm4b:s6+s2], $0x80, v4, vm0, $0xb8;
	[tilespmem:$0x14180] =	vst v63  }
0x33: {  	s4 =	rddreg [dreg:$0x5]  }
0x34: {  	[tilespmem:s4], [sflag:$0x1] =	stream.indirect_vreg.gather [hbm4b:s7+s2], $0x80, v4, vm0, $0xb8;
	[tilespmem:$0x14180] =	vst v63  }
0x35: {  	s8 =	rddreg [dreg:$0x6]  }
0x36: {  	[tilespmem:s8], [sflag:$0x1] =	stream.indirect_vreg.gather [hbm4b:s3+s2], $0x80, v3, vm0, $0xb8;
	[tilespmem:$0x14180] =	vst v63  }
0x37: {  	s4 =	rddreg [dreg:$0x7]  }
0x38: {  	[tilespmem:s4], [sflag:$0x1] =	stream.indirect_vreg.gather [hbm4b:s5+s2], $0x80, v3, vm0, $0xb8;
	[tilespmem:$0x14180] =	vst v63  }
0x39: {  	s8 =	rddreg [dreg:$0x8]  }
0x3a: {  	[tilespmem:s8], [sflag:$0x1] =	stream.indirect_vreg.gather [hbm4b:s6+s2], $0x80, v3, vm0, $0xb8;
	[tilespmem:$0x14180] =	vst v63  }
0x3b: {  	s4 =	rddreg [dreg:$0x9]  }
0x3c: {  	[tilespmem:s4], [sflag:$0x1] =	stream.indirect_vreg.gather [hbm4b:s7+s2], $0x80, v3, vm0, $0xb8;
	[tilespmem:$0x14180] =	vst v63  }
0x3d: {  	v3 =	vld [tilespmem:s1+$0xFFFFFFF0];
	_ =	sdelay $0x4  }
0x3e: {  	v60 =	vshll.u32 v3, $0x3  }
0x3f: {  	v3 =	vand.u32 $0x7, v3;
	v4 =	vand.u32 $0xFFFFFFC0, v60  }
0x40: {  	v3 =	vor.u32 v3, v4  }
0x41: {  	v4 =	vperm.xlane v3, v0;
	_ =	sdelay $0x1  }
0x42: {  	v4 =	vadd.s32 v1, v4;
	_ =	sdelay $0x3  }
0x43: {  	s4 =	rddreg [dreg:$0xa]  }
0x44: {  	[tilespmem:s4], [sflag:$0x1] =	stream.indirect_vreg.gather [hbm4b:s3+s2], $0x80, v4, vm0, $0xb8;
	[tilespmem:$0x14180] =	vst v63  }
0x45: {  	s8 =	rddreg [dreg:$0xb];
	v3 =	vperm.xlane v3, v2  }
0x46: {  	[tilespmem:s8], [sflag:$0x1] =	stream.indirect_vreg.gather [hbm4b:s5+s2], $0x80, v4, vm0, $0xb8;
	[tilespmem:$0x14180] =	vst v63  }
0x47: {  	v3 =	vadd.s32 v1, v3;
	s4 =	rddreg [dreg:$0xc]  }
0x48: {  	[tilespmem:s4], [sflag:$0x1] =	stream.indirect_vreg.gather [hbm4b:s6+s2], $0x80, v4, vm0, $0xb8;
	[tilespmem:$0x14180] =	vst v63  }
0x49: {  	s8 =	rddreg [dreg:$0xd]  }
0x4a: {  	[tilespmem:s8], [sflag:$0x1] =	stream.indirect_vreg.gather [hbm4b:s7+s2], $0x80, v4, vm0, $0xb8;
	[tilespmem:$0x14180] =	vst v63  }
0x4b: {  	s4 =	rddreg [dreg:$0xe]  }
0x4c: {  	[tilespmem:s4], [sflag:$0x1] =	stream.indirect_vreg.gather [hbm4b:s3+s2], $0x80, v3, vm0, $0xb8;
	[tilespmem:$0x14180] =	vst v63  }
0x4d: {  	s8 =	rddreg [dreg:$0xf]  }
0x4e: {  	[tilespmem:s8], [sflag:$0x1] =	stream.indirect_vreg.gather [hbm4b:s5+s2], $0x80, v3, vm0, $0xb8;
	[tilespmem:$0x14180] =	vst v63  }
0x4f: {  	s4 =	rddreg [dreg:$0x10]  }
0x50: {  	[tilespmem:s4], [sflag:$0x1] =	stream.indirect_vreg.gather [hbm4b:s6+s2], $0x80, v3, vm0, $0xb8;
	[tilespmem:$0x14180] =	vst v63  }
0x51: {  	s8 =	rddreg [dreg:$0x11]  }
0x52: {  	[tilespmem:s8], [sflag:$0x1] =	stream.indirect_vreg.gather [hbm4b:s7+s2], $0x80, v3, vm0, $0xb8;
	[tilespmem:$0x14180] =	vst v63  }
0x53: {  	v3 =	vld [tilespmem:s1+$0x0];
	_ =	sdelay $0x4  }
0x54: {  	v61 =	vshll.u32 v3, $0x3  }
0x55: {  	v3 =	vand.u32 $0x7, v3;
	v4 =	vand.u32 $0xFFFFFFC0, v61  }
0x56: {  	v3 =	vor.u32 v3, v4  }
0x57: {  	v4 =	vperm.xlane v3, v0;
	_ =	sdelay $0x1  }
0x58: {  	v4 =	vadd.s32 v1, v4;
	_ =	sdelay $0x3  }
0x59: {  	s4 =	rddreg [dreg:$0x12]  }
0x5a: {  	[tilespmem:s4], [sflag:$0x1] =	stream.indirect_vreg.gather [hbm4b:s3+s2], $0x80, v4, vm0, $0xb8;
	[tilespmem:$0x14180] =	vst v63  }
0x5b: {  	s8 =	rddreg [dreg:$0x13];
	v3 =	vperm.xlane v3, v2  }
0x5c: {  	[tilespmem:s8], [sflag:$0x1] =	stream.indirect_vreg.gather [hbm4b:s5+s2], $0x80, v4, vm0, $0xb8;
	[tilespmem:$0x14180] =	vst v63  }
0x5d: {  	v3 =	vadd.s32 v1, v3;
	s4 =	rddreg [dreg:$0x14]  }
0x5e: {  	[tilespmem:s4], [sflag:$0x1] =	stream.indirect_vreg.gather [hbm4b:s6+s2], $0x80, v4, vm0, $0xb8;
	[tilespmem:$0x14180] =	vst v63  }
0x5f: {  	s8 =	rddreg [dreg:$0x15]  }
0x60: {  	[tilespmem:s8], [sflag:$0x1] =	stream.indirect_vreg.gather [hbm4b:s7+s2], $0x80, v4, vm0, $0xb8;
	[tilespmem:$0x14180] =	vst v63  }
0x61: {  	s4 =	rddreg [dreg:$0x16]  }
0x62: {  	[tilespmem:s4], [sflag:$0x1] =	stream.indirect_vreg.gather [hbm4b:s3+s2], $0x80, v3, vm0, $0xb8;
	[tilespmem:$0x14180] =	vst v63  }
0x63: {  	s8 =	rddreg [dreg:$0x17]  }
0x64: {  	[tilespmem:s8], [sflag:$0x1] =	stream.indirect_vreg.gather [hbm4b:s5+s2], $0x80, v3, vm0, $0xb8;
	[tilespmem:$0x14180] =	vst v63  }
0x65: {  	_ = 	snop  }
0x66: {  	[tilespmem:s11], [sflag:$0x1] =	stream.indirect_vreg.gather [hbm4b:s6+s2], $0x80, v3, vm0, $0xb8;
	[tilespmem:$0x14180] =	vst v63  }
0x67: {  	_ = 	snop  }
0x68: {  	[tilespmem:s12], [sflag:$0x1] =	stream.indirect_vreg.gather [hbm4b:s7+s2], $0x80, v3, vm0, $0xb8;
	[tilespmem:$0x14180] =	vst v63  }
0x69: {  	v3 =	vld [tilespmem:s1+$0x10];
	_ =	sdelay $0x4  }
0x6a: {  	v62 =	vshll.u32 v3, $0x3  }
0x6b: {  	v3 =	vand.u32 $0x7, v3;
	v4 =	vand.u32 $0xFFFFFFC0, v62  }
0x6c: {  	v3 =	vor.u32 v3, v4  }
0x6d: {  	v4 =	vperm.xlane v3, v0;
	_ =	sdelay $0x1  }
0x6e: {  	v4 =	vadd.s32 v1, v4;
	_ =	sdelay $0x4  }
0x6f: {  	[tilespmem:s13], [sflag:$0x1] =	stream.indirect_vreg.gather [hbm4b:s3+s2], $0x80, v4, vm0, $0xb8;
	[tilespmem:$0x14180] =	vst v63  }
0x70: {  	v3 =	vperm.xlane v3, v2  }
0x71: {  	[tilespmem:s14], [sflag:$0x1] =	stream.indirect_vreg.gather [hbm4b:s5+s2], $0x80, v4, vm0, $0xb8;
	[tilespmem:$0x14180] =	vst v63  }
0x72: {  	v3 =	vadd.s32 v1, v3  }
0x73: {  	[tilespmem:s15], [sflag:$0x1] =	stream.indirect_vreg.gather [hbm4b:s6+s2], $0x80, v4, vm0, $0xb8;
	[tilespmem:$0x14180] =	vst v63  }
0x74: {  	_ = 	snop  }
0x75: {  	[tilespmem:s16], [sflag:$0x1] =	stream.indirect_vreg.gather [hbm4b:s7+s2], $0x80, v4, vm0, $0xb8;
	[tilespmem:$0x14180] =	vst v63  }
0x76: {  	_ = 	snop  }
0x77: {  	[tilespmem:s17], [sflag:$0x1] =	stream.indirect_vreg.gather [hbm4b:s3+s2], $0x80, v3, vm0, $0xb8;
	[tilespmem:$0x14180] =	vst v63  }
0x78: {  	_ = 	snop  }
0x79: {  	[tilespmem:s18], [sflag:$0x1] =	stream.indirect_vreg.gather [hbm4b:s5+s2], $0x80, v3, vm0, $0xb8;
	[tilespmem:$0x14180] =	vst v63  }
0x7a: {  	_ = 	snop  }
0x7b: {  	[tilespmem:s19], [sflag:$0x1] =	stream.indirect_vreg.gather [hbm4b:s6+s2], $0x80, v3, vm0, $0xb8;
	[tilespmem:$0x14180] =	vst v63  }
0x7c: {  	_ = 	snop  }
0x7d: {  	[tilespmem:s20], [sflag:$0x1] =	stream.indirect_vreg.gather [hbm4b:s7+s2], $0x80, v3, vm0, $0xb8;
	[tilespmem:$0x14180] =	vst v63  }
0x7e: {  	v3 =	vld [tilespmem:s1+$0x20];
	_ =	sdelay $0x4  }
0x7f: {  	v63 =	vshll.u32 v3, $0x3  }
0x80: {  	v3 =	vand.u32 $0x7, v3;
	v4 =	vand.u32 $0xFFFFFFC0, v63  }
0x81: {  	v3 =	vor.u32 v3, v4  }
0x82: {  	v4 =	vperm.xlane v3, v0;
	_ =	sdelay $0x1  }
0x83: {  	v4 =	vadd.s32 v1, v4;
	_ =	sdelay $0x4  }
0x84: {  	[tilespmem:s21], [sflag:$0x1] =	stream.indirect_vreg.gather [hbm4b:s3+s2], $0x80, v4, vm0, $0xb8;
	[tilespmem:$0x14180] =	vst v63  }
0x85: {  	v3 =	vperm.xlane v3, v2  }
0x86: {  	[tilespmem:s22], [sflag:$0x1] =	stream.indirect_vreg.gather [hbm4b:s5+s2], $0x80, v4, vm0, $0xb8;
	[tilespmem:$0x14180] =	vst v63  }
0x87: {  	v3 =	vadd.s32 v1, v3  }
0x88: {  	[tilespmem:s23], [sflag:$0x1] =	stream.indirect_vreg.gather [hbm4b:s6+s2], $0x80, v4, vm0, $0xb8;
	[tilespmem:$0x14180] =	vst v63  }
0x89: {  	_ = 	snop  }
0x8a: {  	[tilespmem:s24], [sflag:$0x1] =	stream.indirect_vreg.gather [hbm4b:s7+s2], $0x80, v4, vm0, $0xb8;
	[tilespmem:$0x14180] =	vst v63  }
0x8b: {  	_ = 	snop  }
0x8c: {  	[tilespmem:s25], [sflag:$0x1] =	stream.indirect_vreg.gather [hbm4b:s3+s2], $0x80, v3, vm0, $0xb8;
	[tilespmem:$0x14180] =	vst v63  }
0x8d: {  	_ = 	snop  }
0x8e: {  	[tilespmem:s26], [sflag:$0x1] =	stream.indirect_vreg.gather [hbm4b:s5+s2], $0x80, v3, vm0, $0xb8;
	[tilespmem:$0x14180] =	vst v63  }
0x8f: {  	_ = 	snop  }
0x90: {  	[tilespmem:s28], [sflag:$0x1] =	stream.indirect_vreg.gather [hbm4b:s6+s2], $0x80, v3, vm0, $0xb8;
	[tilespmem:$0x14180] =	vst v63  }
0x91: {  	_ = 	snop  }
0x92: {  	[tilespmem:s29], [sflag:$0x1] =	stream.indirect_vreg.gather [hbm4b:s7+s2], $0x80, v3, vm0, $0xb8;
	[tilespmem:$0x14180] =	vst v63  }
0x93: {  	_ =	swait.ge [sflag:s30], $0x14000  }
0x94: {  	p0 =	sne.s32 s0, $0x7800;
	s8 =	rddreg [dreg:$0x2];
	[sflag:s30] =	ssyncset.done $0x0  }
.Ltmp0:
0x95: {  	[sflag:s30] =	ssyncadd.s32 $0xFFFEC000;
	s4 =	sadd.s32 s0, s8;
	(pc) =	sbr.rel @p0 .LBB2_2-.Ltmp0, $4  }
0x96: {  	[hbm4b:s4+s2] =	stream.linear.scatter [tilespmem:s10], [sflag:$0x2], $0x14000, $0x38;
	[tilespmem:$0x14180] =	vst v63  }
0x97: {  	_ =	swait.ge [sflag:s9], $0x14000  }
0x98: {  	[sflag:s9] =	ssyncset.done $0x0  }
0x99: {  	s1 =	sadd.s32 $0x50, s1;
	s0 =	sadd.s32 $0x2800, s0;
	[sflag:s9] =	ssyncadd.s32 $0xFFFEC000  }
0x9a: {  	s31 =	sadd.s32 $0x1, s31;
	s0 =	rddreg [dreg:$0x19]  }
0x9b: {  	p0 =	sne.s32 s31, s0  }
.Ltmp1:
0x9c: {  	_ = 	snop;
	(pc) =	sbr.rel @p0 .LBB2_1-.Ltmp1, $1  }
0x9d: {  	_ =	sdelay $0x3  }
0x9e: {  	_ =	sfence.sel $0x180000  }
0x9f: {  	[bflag:$0x0] =	sbarrier.arrive $0xFFFF  }
0xa0: {  	_ =	strace $0x90000053  }
0xa1: {  	s0 =	stileid.u32;
	[bflag:$0x2] =	sbarrier.arrive $0xFFFF  }
0xa2: {  	p0 =	sne.s32 s0, $0x0;
	s0 =	rddreg [dreg:$0x1]  }
0xa3: {  	s0 =	sadd.s32 @!p0 $0x100000, s0  }
0xa4: {  	[sflag:s0] =	ssyncadd.tile.s32 @!p0 $0x1;
	_ =	shalt  }
.Lfunc_end2:
_tile_overlayer_lowered:
.L_overlay_start_2:
0xa5: {  	(tag) =	ssettag $0x2  }
0xa6: {  	s0 =	rddreg [dreg:$0x0];
	s2 =	stileid.u32  }
0xa7: {  	s1 =	rddreg [dreg:$0x1];
	p0 =	sne.s32 s2, $0x0  }
0xa8: {  	s3 =	rddreg [dreg:$0x2];
	[bflag:$0x3] =	sbarrier.arrive $0xFFFF;
	s2 =	simm.s32 @!p0 $0x1C02  }
0xa9: {  	[timem:s3], [sflag:s2] =	dma.local @!p0 [hbm:s0], s1  }
0xaa: {  	s0 =	simm.s32 @!p0 $0x2  }
0xab: {  	_ =	swait.ge @!p0 [sflag:s0], s1  }
0xac: {  	s1 =	ssub.s32 @!p0 $0x0, s1;
	[sflag:s0] =	ssyncset.done @!p0 $0x0  }
0xad: {  	[sflag:s0] =	ssyncadd.s32 @!p0 s1  }
0xae: {  	[bflag:$0x3] =	sbarrier.arrive $0xFFFF  }
0xaf: {  	_ =	shalt  }

</sc_bundles>
